<compile_context>
chip_gen: v7x
topology: tpu7x:2x2x1
jax: 0.10.2.dev20260603
libtpu: 0.0.44.dev20260713+nightly
codegen_flags: <defaults>
</compile_context>

<pallas_src>
import functools

import jax
import jax.numpy as jnp
from jax import lax
from jax.experimental import pallas as pl
from jax.experimental.pallas import tpu as pltpu
from jax.experimental.pallas import tpu_sc as plsc

_L = 16
_NC = 2
_NS = 16
_NW = _NC * _NS
_PLANES = 96
_PIX = 512 * 512
_CH = 16384
_NCHUNK = _PIX // _CH
_PER_W = _PLANES // _NW
_TWO23 = 8388608.0


def _sc_lut_apply(images2d, luts2d):
    mesh = plsc.VectorSubcoreMesh(
        core_axis_name="c", subcore_axis_name="s",
        num_cores=_NC, num_subcores=_NS)

    @functools.partial(
        pl.kernel,
        mesh=mesh,
        compiler_params=pltpu.CompilerParams(needs_layout_passes=False),
        out_type=jax.ShapeDtypeStruct((_PLANES, _PIX), jnp.float32),
        scratch_types=[
            pltpu.VMEM((256,), jnp.float32),
            pltpu.VMEM((_CH,), jnp.float32),
            pltpu.VMEM((_CH,), jnp.float32),
        ],
    )
    def k(img_hbm, lut_hbm, out_hbm, lut_v, in_v, out_v):
        wid = lax.axis_index("s") * _NC + lax.axis_index("c")
        for j in range(_PER_W):
            p = wid * _PER_W + j
            pltpu.sync_copy(lut_hbm.at[p], lut_v)

            def chunk_body(c, _, p=p):
                pltpu.sync_copy(img_hbm.at[p, pl.ds(c * _CH, _CH)], in_v)

                def vec_body(i, _):
                    x = in_v[pl.ds(i * _L, _L)]
                    y = (x * 0.5 + 0.5) * 255.0
                    r = (y + _TWO23) - _TWO23
                    idx = r.astype(jnp.int32)
                    idx = jnp.minimum(jnp.maximum(idx, 0), 255)
                    out_v[pl.ds(i * _L, _L)] = plsc.load_gather(lut_v, [idx])
                    return 0

                lax.fori_loop(0, _CH // _L, vec_body, 0)
                pltpu.sync_copy(out_v, out_hbm.at[p, pl.ds(c * _CH, _CH)])
                return 0

            lax.fori_loop(0, _NCHUNK, chunk_body, 0)

    return k(images2d, luts2d)


def kernel(images, transforms):
    B, C, H, W = images.shape
    img2 = images.reshape(_PLANES, _PIX)
    lut2 = transforms.reshape(_PLANES, 256)
    out = _sc_lut_apply(img2, lut2)
    return out.reshape(B, C, H, W)

# --- scband reference (transcript-rebuilt; emitter-appended) ---
"""Pipeline reference for scband-intensity-transform-35502199668829 (READ-ONLY COPY).

The authoritative reference and input builder live on the scoring server;
editing this copy changes nothing except your own understanding.
"""

import jax, jax.numpy as jnp
import numpy as np

INTENSITIES = 256
CHANNELS = 3


def setup_inputs(seed: int = 0) -> dict:
    key = jax.random.key(seed)
    k1, k2 = jax.random.split(key)
    images = jax.random.uniform(k1, (32, 3, 512, 512), dtype=jnp.float32)
    transforms = jax.random.uniform(k2, (32, 3, INTENSITIES), dtype=jnp.float32)
    return {"images": images, "transforms": transforms}


def reference(images, transforms):
    scale = INTENSITIES - 1
    # channels == 3 branch: transforms [B, 3, I] -> [B, 3, I, 1]
    t = transforms[:, :, :, None]
    imgs = 0.5 * images + 0.5
    idx = jnp.round(scale * imgs).astype(jnp.int32)  # [B, 3, H, W] LUT indices
    W = images.shape[3]
    temp = 1
    iter_n = 0
    while W > temp:
        temp *= 2
        iter_n += 1
    # tile LUT along width via repeated concatenation (as in torch code)
    for _ in range(iter_n):
        t = jnp.concatenate([t, t], axis=3)
    # torch.gather with index narrower in dim 3 reads the leading W columns
    t = t[:, :, :, :W]
    r = jnp.take_along_axis(t[:, 0:1], idx[:, 0:1], axis=2)
    g = jnp.take_along_axis(t[:, 1:2], idx[:, 1:2], axis=2)
    b = jnp.take_along_axis(t[:, 2:3], idx[:, 2:3], axis=2)
    return jnp.concatenate([r, g, b], axis=1)

if __name__ == "__main__":
    import jax
    _d = setup_inputs()
    print(jax.jit(kernel)(*tuple(_d.values())))

</pallas_src>

<mosaic_0001>
#map = affine_map<(d0, d1) -> (0, 0)>
module attributes {stable_mosaic.version = 14 : i64} {
  func.func @k(%arg0: i32, %arg1: i32, %arg2: memref<96x262144xf32, #tpu.memory_space<hbm>>, %arg3: memref<96x256xf32, #tpu.memory_space<hbm>>, %arg4: memref<96x262144xf32, #tpu.memory_space<hbm>>, %arg5: memref<256xf32, #tpu.memory_space<vmem>>, %arg6: memref<16384xf32, #tpu.memory_space<vmem>>, %arg7: memref<16384xf32, #tpu.memory_space<vmem>>) attributes {dimension_semantics = [#tpu.dimension_semantics<core_parallel>, #tpu.dimension_semantics<subcore_parallel>], iteration_bounds = array<i64: 2, 16>, scalar_prefetch = 0 : i64, scratch_operands = 3 : i64, tpu.core_type = #tpu.core_type<sc_vector_subcore>, window_params = [{transform_indices = #map}, {transform_indices = #map}, {transform_indices = #map}]} {
    %mul3A = arith.constant 2 : i32
    %mul3A_0 = arith.muli %arg1, %mul3A : i32
    %add3A = arith.addi %mul3A_0, %arg0 : i32
    %mul3A_1 = arith.constant 3 : i32
    %mul3A_2 = arith.muli %add3A, %mul3A_1 : i32
    %add3A_3 = arith.constant 0 : i32
    %add3A_4 = arith.addi %mul3A_2, %add3A_3 : i32
    "tpu.region"() ({
      %run_scoped3A = tpu.sem_alloc : memref<!tpu.dma_semaphore, #tpu.memory_space<semaphore_mem>>
      %dma_start3A = arith.constant 0 : i32
      %dma_start3A_33 = tpu.memref_slice %arg3[%add3A_4, %dma_start3A] : memref<96x256xf32, #tpu.memory_space<hbm>> -> memref<1x256xf32, #tpu.memory_space<hbm>>
      %dma_start3A_34 = tpu.memref_squeeze %dma_start3A_33 : memref<1x256xf32, #tpu.memory_space<hbm>> -> memref<256xf32, #tpu.memory_space<hbm>>
      %dma_start3A_35 = arith.constant 0 : i32
      %dma_start3A_36 = tpu.memref_slice %arg3[%add3A_4, %dma_start3A_35] : memref<96x256xf32, #tpu.memory_space<hbm>> -> memref<1x256xf32, #tpu.memory_space<hbm>>
      %dma_start3A_37 = tpu.memref_squeeze %dma_start3A_36 : memref<1x256xf32, #tpu.memory_space<hbm>> -> memref<256xf32, #tpu.memory_space<hbm>>
      tpu.enqueue_dma source(%dma_start3A_37 : memref<256xf32, #tpu.memory_space<hbm>>) target(%arg5 : memref<256xf32, #tpu.memory_space<vmem>>) target_semaphore(%run_scoped3A : memref<!tpu.dma_semaphore, #tpu.memory_space<semaphore_mem>>)
      %dma_wait3A = arith.constant 0 : i32
      %dma_wait3A_38 = tpu.memref_slice %arg3[%add3A_4, %dma_wait3A] : memref<96x256xf32, #tpu.memory_space<hbm>> -> memref<1x256xf32, #tpu.memory_space<hbm>>
      %dma_wait3A_39 = tpu.memref_squeeze %dma_wait3A_38 : memref<1x256xf32, #tpu.memory_space<hbm>> -> memref<256xf32, #tpu.memory_space<hbm>>
      %dma_wait3A_40 = arith.constant 0 : i32
      %dma_wait3A_41 = tpu.memref_slice %arg3[%add3A_4, %dma_wait3A_40] : memref<96x256xf32, #tpu.memory_space<hbm>> -> memref<1x256xf32, #tpu.memory_space<hbm>>
      %dma_wait3A_42 = tpu.memref_squeeze %dma_wait3A_41 : memref<1x256xf32, #tpu.memory_space<hbm>> -> memref<256xf32, #tpu.memory_space<hbm>>
      tpu.wait_dma2 semaphore(%run_scoped3A : memref<!tpu.dma_semaphore, #tpu.memory_space<semaphore_mem>>) src(%dma_wait3A_42 : memref<256xf32, #tpu.memory_space<hbm>>) dst(%arg5 : memref<256xf32, #tpu.memory_space<vmem>>)
      tpu.yield
    }) : () -> ()
    %scan3A = arith.constant 0 : i32
    %scan3A_5 = arith.constant 0 : i32
    %scan3A_6 = arith.constant 16 : i32
    %scan3A_7 = arith.addi %scan3A_5, %scan3A_6 : i32
    %scan3A_8 = arith.constant 1 : i32
    %scan3A_9 = scf.for %scan3A_33 = %scan3A_5 to %scan3A_7 step %scan3A_8 iter_args(%scan3A_34 = %scan3A) -> (i32)  : i32 {
      %mul3A_35 = arith.constant 16384 : i32
      %mul3A_36 = arith.muli %scan3A_33, %mul3A_35 : i32
      "tpu.region"() ({
        %run_scoped3A = tpu.sem_alloc : memref<!tpu.dma_semaphore, #tpu.memory_space<semaphore_mem>>
        %dma_start3A = tpu.memref_slice %arg2[%add3A_4, %mul3A_36] : memref<96x262144xf32, #tpu.memory_space<hbm>> -> memref<1x16384xf32, #tpu.memory_space<hbm>>
        %dma_start3A_47 = tpu.memref_squeeze %dma_start3A : memref<1x16384xf32, #tpu.memory_space<hbm>> -> memref<16384xf32, #tpu.memory_space<hbm>>
        %dma_start3A_48 = tpu.memref_slice %arg2[%add3A_4, %mul3A_36] : memref<96x262144xf32, #tpu.memory_space<hbm>> -> memref<1x16384xf32, #tpu.memory_space<hbm>>
        %dma_start3A_49 = tpu.memref_squeeze %dma_start3A_48 : memref<1x16384xf32, #tpu.memory_space<hbm>> -> memref<16384xf32, #tpu.memory_space<hbm>>
        tpu.enqueue_dma source(%dma_start3A_49 : memref<16384xf32, #tpu.memory_space<hbm>>) target(%arg6 : memref<16384xf32, #tpu.memory_space<vmem>>) target_semaphore(%run_scoped3A : memref<!tpu.dma_semaphore, #tpu.memory_space<semaphore_mem>>)
        %dma_wait3A = tpu.memref_slice %arg2[%add3A_4, %mul3A_36] : memref<96x262144xf32, #tpu.memory_space<hbm>> -> memref<1x16384xf32, #tpu.memory_space<hbm>>
        %dma_wait3A_50 = tpu.memref_squeeze %dma_wait3A : memref<1x16384xf32, #tpu.memory_space<hbm>> -> memref<16384xf32, #tpu.memory_space<hbm>>
        %dma_wait3A_51 = tpu.memref_slice %arg2[%add3A_4, %mul3A_36] : memref<96x262144xf32, #tpu.memory_space<hbm>> -> memref<1x16384xf32, #tpu.memory_space<hbm>>
        %dma_wait3A_52 = tpu.memref_squeeze %dma_wait3A_51 : memref<1x16384xf32, #tpu.memory_space<hbm>> -> memref<16384xf32, #tpu.memory_space<hbm>>
        tpu.wait_dma2 semaphore(%run_scoped3A : memref<!tpu.dma_semaphore, #tpu.memory_space<semaphore_mem>>) src(%dma_wait3A_52 : memref<16384xf32, #tpu.memory_space<hbm>>) dst(%arg6 : memref<16384xf32, #tpu.memory_space<vmem>>)
        tpu.yield
      }) : () -> ()
      %scan3A_37 = arith.constant 0 : i32
      %scan3A_38 = arith.constant 0 : i32
      %scan3A_39 = arith.constant 1024 : i32
      %scan3A_40 = arith.addi %scan3A_38, %scan3A_39 : i32
      %scan3A_41 = arith.constant 1 : i32
      %scan3A_42 = scf.for %scan3A_47 = %scan3A_38 to %scan3A_40 step %scan3A_41 iter_args(%scan3A_48 = %scan3A_37) -> (i32)  : i32 {
        %mul3A_49 = arith.constant 16 : i32
        %mul3A_50 = arith.muli %scan3A_47, %mul3A_49 : i32
        %get3A = arith.index_cast %mul3A_50 : i32 to index
        %get3A_51 = tpu.vector_load %arg6[%get3A] {strides = array<i32>} : memref<16384xf32, #tpu.memory_space<vmem>>, vector<16xf32>,
        %mul3A_52 = arith.constant 5.000000e-01 : f32
        %mul3A_53 = vector.broadcast %mul3A_52 : f32 to vector<16xf32>
        %mul3A_54 = arith.mulf %get3A_51, %mul3A_53 : vector<16xf32>
        %add3A_55 = arith.constant 5.000000e-01 : f32
        %add3A_56 = vector.broadcast %add3A_55 : f32 to vector<16xf32>
        %add3A_57 = arith.addf %mul3A_54, %add3A_56 : vector<16xf32>
        %mul3A_58 = arith.constant 2.550000e+02 : f32
        %mul3A_59 = vector.broadcast %mul3A_58 : f32 to vector<16xf32>
        %mul3A_60 = arith.mulf %add3A_57, %mul3A_59 : vector<16xf32>
        %add3A_61 = arith.constant 0x4B000000 : f32
        %add3A_62 = vector.broadcast %add3A_61 : f32 to vector<16xf32>
        %add3A_63 = arith.addf %mul3A_60, %add3A_62 : vector<16xf32>
        %sub3A = arith.constant 0x4B000000 : f32
        %sub3A_64 = vector.broadcast %sub3A : f32 to vector<16xf32>
        %sub3A_65 = arith.subf %add3A_63, %sub3A_64 : vector<16xf32>
        %convert_element_type3A = arith.fptosi %sub3A_65 : vector<16xf32> to vector<16xi32>
        %max3A = arith.constant 0 : i32
        %max3A_66 = vector.broadcast %max3A : i32 to vector<16xi32>
        %max3A_67 = arith.maxsi %convert_element_type3A, %max3A_66 : vector<16xi32>
        %min3A = arith.constant 255 : i32
        %min3A_68 = vector.broadcast %min3A : i32 to vector<16xi32>
        %min3A_69 = arith.minsi %max3A_67, %min3A_68 : vector<16xi32>
        %gather3A = tpu.vector_load_idx %arg5[%min3A_69] : memref<256xf32, #tpu.memory_space<vmem>>[vector<16xi32>], vector<16xf32>,
        %mul3A_70 = arith.constant 16 : i32
        %mul3A_71 = arith.muli %scan3A_47, %mul3A_70 : i32
        %swap3A = arith.index_cast %mul3A_71 : i32 to index
        %swap3A_72 = tpu.vector_load %arg7[%swap3A] {strides = array<i32>} : memref<16384xf32, #tpu.memory_space<vmem>>, vector<16xf32>,
        tpu.vector_store %arg7[%swap3A], %gather3A {strides = array<i32>} : memref<16384xf32, #tpu.memory_space<vmem>>, vector<16xf32>,
        %scan3A_73 = arith.constant 0 : i32
        scf.yield %scan3A_73 : i32
      }
      %scan3A_43 = arith.constant 1024 : i32
      %mul3A_44 = arith.constant 16384 : i32
      %mul3A_45 = arith.muli %scan3A_33, %mul3A_44 : i32
      "tpu.region"() ({
        %run_scoped3A = tpu.sem_alloc : memref<!tpu.dma_semaphore, #tpu.memory_space<semaphore_mem>>
        %dma_start3A = tpu.memref_slice %arg4[%add3A_4, %mul3A_45] : memref<96x262144xf32, #tpu.memory_space<hbm>> -> memref<1x16384xf32, #tpu.memory_space<hbm>>
        %dma_start3A_47 = tpu.memref_squeeze %dma_start3A : memref<1x16384xf32, #tpu.memory_space<hbm>> -> memref<16384xf32, #tpu.memory_space<hbm>>
        %dma_start3A_48 = tpu.memref_slice %arg4[%add3A_4, %mul3A_45] : memref<96x262144xf32, #tpu.memory_space<hbm>> -> memref<1x16384xf32, #tpu.memory_space<hbm>>
        %dma_start3A_49 = tpu.memref_squeeze %dma_start3A_48 : memref<1x16384xf32, #tpu.memory_space<hbm>> -> memref<16384xf32, #tpu.memory_space<hbm>>
        tpu.enqueue_dma source(%arg7 : memref<16384xf32, #tpu.memory_space<vmem>>) target(%dma_start3A_49 : memref<16384xf32, #tpu.memory_space<hbm>>) target_semaphore(%run_scoped3A : memref<!tpu.dma_semaphore, #tpu.memory_space<semaphore_mem>>)
        %dma_wait3A = tpu.memref_slice %arg4[%add3A_4, %mul3A_45] : memref<96x262144xf32, #tpu.memory_space<hbm>> -> memref<1x16384xf32, #tpu.memory_space<hbm>>
        %dma_wait3A_50 = tpu.memref_squeeze %dma_wait3A : memref<1x16384xf32, #tpu.memory_space<hbm>> -> memref<16384xf32, #tpu.memory_space<hbm>>
        %dma_wait3A_51 = tpu.memref_slice %arg4[%add3A_4, %mul3A_45] : memref<96x262144xf32, #tpu.memory_space<hbm>> -> memref<1x16384xf32, #tpu.memory_space<hbm>>
        %dma_wait3A_52 = tpu.memref_squeeze %dma_wait3A_51 : memref<1x16384xf32, #tpu.memory_space<hbm>> -> memref<16384xf32, #tpu.memory_space<hbm>>
        tpu.wait_dma2 semaphore(%run_scoped3A : memref<!tpu.dma_semaphore, #tpu.memory_space<semaphore_mem>>) src(%arg7 : memref<16384xf32, #tpu.memory_space<vmem>>) dst(%dma_wait3A_52 : memref<16384xf32, #tpu.memory_space<hbm>>)
        tpu.yield
      }) : () -> ()
      %scan3A_46 = arith.constant 0 : i32
      scf.yield %scan3A_46 : i32
    }
    %scan3A_10 = arith.constant 16 : i32
    %mul3A_11 = arith.constant 3 : i32
    %mul3A_12 = arith.muli %add3A, %mul3A_11 : i32
    %add3A_13 = arith.constant 1 : i32
    %add3A_14 = arith.addi %mul3A_12, %add3A_13 : i32
    "tpu.region"() ({
      %run_scoped3A = tpu.sem_alloc : memref<!tpu.dma_semaphore, #tpu.memory_space<semaphore_mem>>
      %dma_start3A = arith.constant 0 : i32
      %dma_start3A_33 = tpu.memref_slice %arg3[%add3A_14, %dma_start3A] : memref<96x256xf32, #tpu.memory_space<hbm>> -> memref<1x256xf32, #tpu.memory_space<hbm>>
      %dma_start3A_34 = tpu.memref_squeeze %dma_start3A_33 : memref<1x256xf32, #tpu.memory_space<hbm>> -> memref<256xf32, #tpu.memory_space<hbm>>
      %dma_start3A_35 = arith.constant 0 : i32
      %dma_start3A_36 = tpu.memref_slice %arg3[%add3A_14, %dma_start3A_35] : memref<96x256xf32, #tpu.memory_space<hbm>> -> memref<1x256xf32, #tpu.memory_space<hbm>>
      %dma_start3A_37 = tpu.memref_squeeze %dma_start3A_36 : memref<1x256xf32, #tpu.memory_space<hbm>> -> memref<256xf32, #tpu.memory_space<hbm>>
      tpu.enqueue_dma source(%dma_start3A_37 : memref<256xf32, #tpu.memory_space<hbm>>) target(%arg5 : memref<256xf32, #tpu.memory_space<vmem>>) target_semaphore(%run_scoped3A : memref<!tpu.dma_semaphore, #tpu.memory_space<semaphore_mem>>)
      %dma_wait3A = arith.constant 0 : i32
      %dma_wait3A_38 = tpu.memref_slice %arg3[%add3A_14, %dma_wait3A] : memref<96x256xf32, #tpu.memory_space<hbm>> -> memref<1x256xf32, #tpu.memory_space<hbm>>
      %dma_wait3A_39 = tpu.memref_squeeze %dma_wait3A_38 : memref<1x256xf32, #tpu.memory_space<hbm>> -> memref<256xf32, #tpu.memory_space<hbm>>
      %dma_wait3A_40 = arith.constant 0 : i32
      %dma_wait3A_41 = tpu.memref_slice %arg3[%add3A_14, %dma_wait3A_40] : memref<96x256xf32, #tpu.memory_space<hbm>> -> memref<1x256xf32, #tpu.memory_space<hbm>>
      %dma_wait3A_42 = tpu.memref_squeeze %dma_wait3A_41 : memref<1x256xf32, #tpu.memory_space<hbm>> -> memref<256xf32, #tpu.memory_space<hbm>>
      tpu.wait_dma2 semaphore(%run_scoped3A : memref<!tpu.dma_semaphore, #tpu.memory_space<semaphore_mem>>) src(%dma_wait3A_42 : memref<256xf32, #tpu.memory_space<hbm>>) dst(%arg5 : memref<256xf32, #tpu.memory_space<vmem>>)
      tpu.yield
    }) : () -> ()
    %scan3A_15 = arith.constant 0 : i32
    %scan3A_16 = arith.constant 0 : i32
    %scan3A_17 = arith.constant 16 : i32
    %scan3A_18 = arith.addi %scan3A_16, %scan3A_17 : i32
    %scan3A_19 = arith.constant 1 : i32
    %scan3A_20 = scf.for %scan3A_33 = %scan3A_16 to %scan3A_18 step %scan3A_19 iter_args(%scan3A_34 = %scan3A_15) -> (i32)  : i32 {
      %mul3A_35 = arith.constant 16384 : i32
      %mul3A_36 = arith.muli %scan3A_33, %mul3A_35 : i32
      "tpu.region"() ({
        %run_scoped3A = tpu.sem_alloc : memref<!tpu.dma_semaphore, #tpu.memory_space<semaphore_mem>>
        %dma_start3A = tpu.memref_slice %arg2[%add3A_14, %mul3A_36] : memref<96x262144xf32, #tpu.memory_space<hbm>> -> memref<1x16384xf32, #tpu.memory_space<hbm>>
        %dma_start3A_47 = tpu.memref_squeeze %dma_start3A : memref<1x16384xf32, #tpu.memory_space<hbm>> -> memref<16384xf32, #tpu.memory_space<hbm>>
        %dma_start3A_48 = tpu.memref_slice %arg2[%add3A_14, %mul3A_36] : memref<96x262144xf32, #tpu.memory_space<hbm>> -> memref<1x16384xf32, #tpu.memory_space<hbm>>
        %dma_start3A_49 = tpu.memref_squeeze %dma_start3A_48 : memref<1x16384xf32, #tpu.memory_space<hbm>> -> memref<16384xf32, #tpu.memory_space<hbm>>
        tpu.enqueue_dma source(%dma_start3A_49 : memref<16384xf32, #tpu.memory_space<hbm>>) target(%arg6 : memref<16384xf32, #tpu.memory_space<vmem>>) target_semaphore(%run_scoped3A : memref<!tpu.dma_semaphore, #tpu.memory_space<semaphore_mem>>)
        %dma_wait3A = tpu.memref_slice %arg2[%add3A_14, %mul3A_36] : memref<96x262144xf32, #tpu.memory_space<hbm>> -> memref<1x16384xf32, #tpu.memory_space<hbm>>
        %dma_wait3A_50 = tpu.memref_squeeze %dma_wait3A : memref<1x16384xf32, #tpu.memory_space<hbm>> -> memref<16384xf32, #tpu.memory_space<hbm>>
        %dma_wait3A_51 = tpu.memref_slice %arg2[%add3A_14, %mul3A_36] : memref<96x262144xf32, #tpu.memory_space<hbm>> -> memref<1x16384xf32, #tpu.memory_space<hbm>>
        %dma_wait3A_52 = tpu.memref_squeeze %dma_wait3A_51 : memref<1x16384xf32, #tpu.memory_space<hbm>> -> memref<16384xf32, #tpu.memory_space<hbm>>
        tpu.wait_dma2 semaphore(%run_scoped3A : memref<!tpu.dma_semaphore, #tpu.memory_space<semaphore_mem>>) src(%dma_wait3A_52 : memref<16384xf32, #tpu.memory_space<hbm>>) dst(%arg6 : memref<16384xf32, #tpu.memory_space<vmem>>)
        tpu.yield
      }) : () -> ()
      %scan3A_37 = arith.constant 0 : i32
      %scan3A_38 = arith.constant 0 : i32
      %scan3A_39 = arith.constant 1024 : i32
      %scan3A_40 = arith.addi %scan3A_38, %scan3A_39 : i32
      %scan3A_41 = arith.constant 1 : i32
      %scan3A_42 = scf.for %scan3A_47 = %scan3A_38 to %scan3A_40 step %scan3A_41 iter_args(%scan3A_48 = %scan3A_37) -> (i32)  : i32 {
        %mul3A_49 = arith.constant 16 : i32
        %mul3A_50 = arith.muli %scan3A_47, %mul3A_49 : i32
        %get3A = arith.index_cast %mul3A_50 : i32 to index
        %get3A_51 = tpu.vector_load %arg6[%get3A] {strides = array<i32>} : memref<16384xf32, #tpu.memory_space<vmem>>, vector<16xf32>,
        %mul3A_52 = arith.constant 5.000000e-01 : f32
        %mul3A_53 = vector.broadcast %mul3A_52 : f32 to vector<16xf32>
        %mul3A_54 = arith.mulf %get3A_51, %mul3A_53 : vector<16xf32>
        %add3A_55 = arith.constant 5.000000e-01 : f32
        %add3A_56 = vector.broadcast %add3A_55 : f32 to vector<16xf32>
        %add3A_57 = arith.addf %mul3A_54, %add3A_56 : vector<16xf32>
        %mul3A_58 = arith.constant 2.550000e+02 : f32
        %mul3A_59 = vector.broadcast %mul3A_58 : f32 to vector<16xf32>
        %mul3A_60 = arith.mulf %add3A_57, %mul3A_59 : vector<16xf32>
        %add3A_61 = arith.constant 0x4B000000 : f32
        %add3A_62 = vector.broadcast %add3A_61 : f32 to vector<16xf32>
        %add3A_63 = arith.addf %mul3A_60, %add3A_62 : vector<16xf32>
        %sub3A = arith.constant 0x4B000000 : f32
        %sub3A_64 = vector.broadcast %sub3A : f32 to vector<16xf32>
        %sub3A_65 = arith.subf %add3A_63, %sub3A_64 : vector<16xf32>
        %convert_element_type3A = arith.fptosi %sub3A_65 : vector<16xf32> to vector<16xi32>
        %max3A = arith.constant 0 : i32
        %max3A_66 = vector.broadcast %max3A : i32 to vector<16xi32>
        %max3A_67 = arith.maxsi %convert_element_type3A, %max3A_66 : vector<16xi32>
        %min3A = arith.constant 255 : i32
        %min3A_68 = vector.broadcast %min3A : i32 to vector<16xi32>
        %min3A_69 = arith.minsi %max3A_67, %min3A_68 : vector<16xi32>
        %gather3A = tpu.vector_load_idx %arg5[%min3A_69] : memref<256xf32, #tpu.memory_space<vmem>>[vector<16xi32>], vector<16xf32>,
        %mul3A_70 = arith.constant 16 : i32
        %mul3A_71 = arith.muli %scan3A_47, %mul3A_70 : i32
        %swap3A = arith.index_cast %mul3A_71 : i32 to index
        %swap3A_72 = tpu.vector_load %arg7[%swap3A] {strides = array<i32>} : memref<16384xf32, #tpu.memory_space<vmem>>, vector<16xf32>,
        tpu.vector_store %arg7[%swap3A], %gather3A {strides = array<i32>} : memref<16384xf32, #tpu.memory_space<vmem>>, vector<16xf32>,
        %scan3A_73 = arith.constant 0 : i32
        scf.yield %scan3A_73 : i32
      }
      %scan3A_43 = arith.constant 1024 : i32
      %mul3A_44 = arith.constant 16384 : i32
      %mul3A_45 = arith.muli %scan3A_33, %mul3A_44 : i32
      "tpu.region"() ({
        %run_scoped3A = tpu.sem_alloc : memref<!tpu.dma_semaphore, #tpu.memory_space<semaphore_mem>>
        %dma_start3A = tpu.memref_slice %arg4[%add3A_14, %mul3A_45] : memref<96x262144xf32, #tpu.memory_space<hbm>> -> memref<1x16384xf32, #tpu.memory_space<hbm>>
        %dma_start3A_47 = tpu.memref_squeeze %dma_start3A : memref<1x16384xf32, #tpu.memory_space<hbm>> -> memref<16384xf32, #tpu.memory_space<hbm>>
        %dma_start3A_48 = tpu.memref_slice %arg4[%add3A_14, %mul3A_45] : memref<96x262144xf32, #tpu.memory_space<hbm>> -> memref<1x16384xf32, #tpu.memory_space<hbm>>
        %dma_start3A_49 = tpu.memref_squeeze %dma_start3A_48 : memref<1x16384xf32, #tpu.memory_space<hbm>> -> memref<16384xf32, #tpu.memory_space<hbm>>
        tpu.enqueue_dma source(%arg7 : memref<16384xf32, #tpu.memory_space<vmem>>) target(%dma_start3A_49 : memref<16384xf32, #tpu.memory_space<hbm>>) target_semaphore(%run_scoped3A : memref<!tpu.dma_semaphore, #tpu.memory_space<semaphore_mem>>)
        %dma_wait3A = tpu.memref_slice %arg4[%add3A_14, %mul3A_45] : memref<96x262144xf32, #tpu.memory_space<hbm>> -> memref<1x16384xf32, #tpu.memory_space<hbm>>
        %dma_wait3A_50 = tpu.memref_squeeze %dma_wait3A : memref<1x16384xf32, #tpu.memory_space<hbm>> -> memref<16384xf32, #tpu.memory_space<hbm>>
        %dma_wait3A_51 = tpu.memref_slice %arg4[%add3A_14, %mul3A_45] : memref<96x262144xf32, #tpu.memory_space<hbm>> -> memref<1x16384xf32, #tpu.memory_space<hbm>>
        %dma_wait3A_52 = tpu.memref_squeeze %dma_wait3A_51 : memref<1x16384xf32, #tpu.memory_space<hbm>> -> memref<16384xf32, #tpu.memory_space<hbm>>
        tpu.wait_dma2 semaphore(%run_scoped3A : memref<!tpu.dma_semaphore, #tpu.memory_space<semaphore_mem>>) src(%arg7 : memref<16384xf32, #tpu.memory_space<vmem>>) dst(%dma_wait3A_52 : memref<16384xf32, #tpu.memory_space<hbm>>)
        tpu.yield
      }) : () -> ()
      %scan3A_46 = arith.constant 0 : i32
      scf.yield %scan3A_46 : i32
    }
    %scan3A_21 = arith.constant 16 : i32
    %mul3A_22 = arith.constant 3 : i32
    %mul3A_23 = arith.muli %add3A, %mul3A_22 : i32
    %add3A_24 = arith.constant 2 : i32
    %add3A_25 = arith.addi %mul3A_23, %add3A_24 : i32
    "tpu.region"() ({
      %run_scoped3A = tpu.sem_alloc : memref<!tpu.dma_semaphore, #tpu.memory_space<semaphore_mem>>
      %dma_start3A = arith.constant 0 : i32
      %dma_start3A_33 = tpu.memref_slice %arg3[%add3A_25, %dma_start3A] : memref<96x256xf32, #tpu.memory_space<hbm>> -> memref<1x256xf32, #tpu.memory_space<hbm>>
      %dma_start3A_34 = tpu.memref_squeeze %dma_start3A_33 : memref<1x256xf32, #tpu.memory_space<hbm>> -> memref<256xf32, #tpu.memory_space<hbm>>
      %dma_start3A_35 = arith.constant 0 : i32
      %dma_start3A_36 = tpu.memref_slice %arg3[%add3A_25, %dma_start3A_35] : memref<96x256xf32, #tpu.memory_space<hbm>> -> memref<1x256xf32, #tpu.memory_space<hbm>>
      %dma_start3A_37 = tpu.memref_squeeze %dma_start3A_36 : memref<1x256xf32, #tpu.memory_space<hbm>> -> memref<256xf32, #tpu.memory_space<hbm>>
      tpu.enqueue_dma source(%dma_start3A_37 : memref<256xf32, #tpu.memory_space<hbm>>) target(%arg5 : memref<256xf32, #tpu.memory_space<vmem>>) target_semaphore(%run_scoped3A : memref<!tpu.dma_semaphore, #tpu.memory_space<semaphore_mem>>)
      %dma_wait3A = arith.constant 0 : i32
      %dma_wait3A_38 = tpu.memref_slice %arg3[%add3A_25, %dma_wait3A] : memref<96x256xf32, #tpu.memory_space<hbm>> -> memref<1x256xf32, #tpu.memory_space<hbm>>
      %dma_wait3A_39 = tpu.memref_squeeze %dma_wait3A_38 : memref<1x256xf32, #tpu.memory_space<hbm>> -> memref<256xf32, #tpu.memory_space<hbm>>
      %dma_wait3A_40 = arith.constant 0 : i32
      %dma_wait3A_41 = tpu.memref_slice %arg3[%add3A_25, %dma_wait3A_40] : memref<96x256xf32, #tpu.memory_space<hbm>> -> memref<1x256xf32, #tpu.memory_space<hbm>>
      %dma_wait3A_42 = tpu.memref_squeeze %dma_wait3A_41 : memref<1x256xf32, #tpu.memory_space<hbm>> -> memref<256xf32, #tpu.memory_space<hbm>>
      tpu.wait_dma2 semaphore(%run_scoped3A : memref<!tpu.dma_semaphore, #tpu.memory_space<semaphore_mem>>) src(%dma_wait3A_42 : memref<256xf32, #tpu.memory_space<hbm>>) dst(%arg5 : memref<256xf32, #tpu.memory_space<vmem>>)
      tpu.yield
    }) : () -> ()
    %scan3A_26 = arith.constant 0 : i32
    %scan3A_27 = arith.constant 0 : i32
    %scan3A_28 = arith.constant 16 : i32
    %scan3A_29 = arith.addi %scan3A_27, %scan3A_28 : i32
    %scan3A_30 = arith.constant 1 : i32
    %scan3A_31 = scf.for %scan3A_33 = %scan3A_27 to %scan3A_29 step %scan3A_30 iter_args(%scan3A_34 = %scan3A_26) -> (i32)  : i32 {
      %mul3A_35 = arith.constant 16384 : i32
      %mul3A_36 = arith.muli %scan3A_33, %mul3A_35 : i32
      "tpu.region"() ({
        %run_scoped3A = tpu.sem_alloc : memref<!tpu.dma_semaphore, #tpu.memory_space<semaphore_mem>>
        %dma_start3A = tpu.memref_slice %arg2[%add3A_25, %mul3A_36] : memref<96x262144xf32, #tpu.memory_space<hbm>> -> memref<1x16384xf32, #tpu.memory_space<hbm>>
        %dma_start3A_47 = tpu.memref_squeeze %dma_start3A : memref<1x16384xf32, #tpu.memory_space<hbm>> -> memref<16384xf32, #tpu.memory_space<hbm>>
        %dma_start3A_48 = tpu.memref_slice %arg2[%add3A_25, %mul3A_36] : memref<96x262144xf32, #tpu.memory_space<hbm>> -> memref<1x16384xf32, #tpu.memory_space<hbm>>
        %dma_start3A_49 = tpu.memref_squeeze %dma_start3A_48 : memref<1x16384xf32, #tpu.memory_space<hbm>> -> memref<16384xf32, #tpu.memory_space<hbm>>
        tpu.enqueue_dma source(%dma_start3A_49 : memref<16384xf32, #tpu.memory_space<hbm>>) target(%arg6 : memref<16384xf32, #tpu.memory_space<vmem>>) target_semaphore(%run_scoped3A : memref<!tpu.dma_semaphore, #tpu.memory_space<semaphore_mem>>)
        %dma_wait3A = tpu.memref_slice %arg2[%add3A_25, %mul3A_36] : memref<96x262144xf32, #tpu.memory_space<hbm>> -> memref<1x16384xf32, #tpu.memory_space<hbm>>
        %dma_wait3A_50 = tpu.memref_squeeze %dma_wait3A : memref<1x16384xf32, #tpu.memory_space<hbm>> -> memref<16384xf32, #tpu.memory_space<hbm>>
        %dma_wait3A_51 = tpu.memref_slice %arg2[%add3A_25, %mul3A_36] : memref<96x262144xf32, #tpu.memory_space<hbm>> -> memref<1x16384xf32, #tpu.memory_space<hbm>>
        %dma_wait3A_52 = tpu.memref_squeeze %dma_wait3A_51 : memref<1x16384xf32, #tpu.memory_space<hbm>> -> memref<16384xf32, #tpu.memory_space<hbm>>
        tpu.wait_dma2 semaphore(%run_scoped3A : memref<!tpu.dma_semaphore, #tpu.memory_space<semaphore_mem>>) src(%dma_wait3A_52 : memref<16384xf32, #tpu.memory_space<hbm>>) dst(%arg6 : memref<16384xf32, #tpu.memory_space<vmem>>)
        tpu.yield
      }) : () -> ()
      %scan3A_37 = arith.constant 0 : i32
      %scan3A_38 = arith.constant 0 : i32
      %scan3A_39 = arith.constant 1024 : i32
      %scan3A_40 = arith.addi %scan3A_38, %scan3A_39 : i32
      %scan3A_41 = arith.constant 1 : i32
      %scan3A_42 = scf.for %scan3A_47 = %scan3A_38 to %scan3A_40 step %scan3A_41 iter_args(%scan3A_48 = %scan3A_37) -> (i32)  : i32 {
        %mul3A_49 = arith.constant 16 : i32
        %mul3A_50 = arith.muli %scan3A_47, %mul3A_49 : i32
        %get3A = arith.index_cast %mul3A_50 : i32 to index
        %get3A_51 = tpu.vector_load %arg6[%get3A] {strides = array<i32>} : memref<16384xf32, #tpu.memory_space<vmem>>, vector<16xf32>,
        %mul3A_52 = arith.constant 5.000000e-01 : f32
        %mul3A_53 = vector.broadcast %mul3A_52 : f32 to vector<16xf32>
        %mul3A_54 = arith.mulf %get3A_51, %mul3A_53 : vector<16xf32>
        %add3A_55 = arith.constant 5.000000e-01 : f32
        %add3A_56 = vector.broadcast %add3A_55 : f32 to vector<16xf32>
        %add3A_57 = arith.addf %mul3A_54, %add3A_56 : vector<16xf32>
        %mul3A_58 = arith.constant 2.550000e+02 : f32
        %mul3A_59 = vector.broadcast %mul3A_58 : f32 to vector<16xf32>
        %mul3A_60 = arith.mulf %add3A_57, %mul3A_59 : vector<16xf32>
        %add3A_61 = arith.constant 0x4B000000 : f32
        %add3A_62 = vector.broadcast %add3A_61 : f32 to vector<16xf32>
        %add3A_63 = arith.addf %mul3A_60, %add3A_62 : vector<16xf32>
        %sub3A = arith.constant 0x4B000000 : f32
        %sub3A_64 = vector.broadcast %sub3A : f32 to vector<16xf32>
        %sub3A_65 = arith.subf %add3A_63, %sub3A_64 : vector<16xf32>
        %convert_element_type3A = arith.fptosi %sub3A_65 : vector<16xf32> to vector<16xi32>
        %max3A = arith.constant 0 : i32
        %max3A_66 = vector.broadcast %max3A : i32 to vector<16xi32>
        %max3A_67 = arith.maxsi %convert_element_type3A, %max3A_66 : vector<16xi32>
        %min3A = arith.constant 255 : i32
        %min3A_68 = vector.broadcast %min3A : i32 to vector<16xi32>
        %min3A_69 = arith.minsi %max3A_67, %min3A_68 : vector<16xi32>
        %gather3A = tpu.vector_load_idx %arg5[%min3A_69] : memref<256xf32, #tpu.memory_space<vmem>>[vector<16xi32>], vector<16xf32>,
        %mul3A_70 = arith.constant 16 : i32
        %mul3A_71 = arith.muli %scan3A_47, %mul3A_70 : i32
        %swap3A = arith.index_cast %mul3A_71 : i32 to index
        %swap3A_72 = tpu.vector_load %arg7[%swap3A] {strides = array<i32>} : memref<16384xf32, #tpu.memory_space<vmem>>, vector<16xf32>,
        tpu.vector_store %arg7[%swap3A], %gather3A {strides = array<i32>} : memref<16384xf32, #tpu.memory_space<vmem>>, vector<16xf32>,
        %scan3A_73 = arith.constant 0 : i32
        scf.yield %scan3A_73 : i32
      }
      %scan3A_43 = arith.constant 1024 : i32
      %mul3A_44 = arith.constant 16384 : i32
      %mul3A_45 = arith.muli %scan3A_33, %mul3A_44 : i32
      "tpu.region"() ({
        %run_scoped3A = tpu.sem_alloc : memref<!tpu.dma_semaphore, #tpu.memory_space<semaphore_mem>>
        %dma_start3A = tpu.memref_slice %arg4[%add3A_25, %mul3A_45] : memref<96x262144xf32, #tpu.memory_space<hbm>> -> memref<1x16384xf32, #tpu.memory_space<hbm>>
        %dma_start3A_47 = tpu.memref_squeeze %dma_start3A : memref<1x16384xf32, #tpu.memory_space<hbm>> -> memref<16384xf32, #tpu.memory_space<hbm>>
        %dma_start3A_48 = tpu.memref_slice %arg4[%add3A_25, %mul3A_45] : memref<96x262144xf32, #tpu.memory_space<hbm>> -> memref<1x16384xf32, #tpu.memory_space<hbm>>
        %dma_start3A_49 = tpu.memref_squeeze %dma_start3A_48 : memref<1x16384xf32, #tpu.memory_space<hbm>> -> memref<16384xf32, #tpu.memory_space<hbm>>
        tpu.enqueue_dma source(%arg7 : memref<16384xf32, #tpu.memory_space<vmem>>) target(%dma_start3A_49 : memref<16384xf32, #tpu.memory_space<hbm>>) target_semaphore(%run_scoped3A : memref<!tpu.dma_semaphore, #tpu.memory_space<semaphore_mem>>)
        %dma_wait3A = tpu.memref_slice %arg4[%add3A_25, %mul3A_45] : memref<96x262144xf32, #tpu.memory_space<hbm>> -> memref<1x16384xf32, #tpu.memory_space<hbm>>
        %dma_wait3A_50 = tpu.memref_squeeze %dma_wait3A : memref<1x16384xf32, #tpu.memory_space<hbm>> -> memref<16384xf32, #tpu.memory_space<hbm>>
        %dma_wait3A_51 = tpu.memref_slice %arg4[%add3A_25, %mul3A_45] : memref<96x262144xf32, #tpu.memory_space<hbm>> -> memref<1x16384xf32, #tpu.memory_space<hbm>>
        %dma_wait3A_52 = tpu.memref_squeeze %dma_wait3A_51 : memref<1x16384xf32, #tpu.memory_space<hbm>> -> memref<16384xf32, #tpu.memory_space<hbm>>
        tpu.wait_dma2 semaphore(%run_scoped3A : memref<!tpu.dma_semaphore, #tpu.memory_space<semaphore_mem>>) src(%arg7 : memref<16384xf32, #tpu.memory_space<vmem>>) dst(%dma_wait3A_52 : memref<16384xf32, #tpu.memory_space<hbm>>)
        tpu.yield
      }) : () -> ()
      %scan3A_46 = arith.constant 0 : i32
      scf.yield %scan3A_46 : i32
    }
    %scan3A_32 = arith.constant 16 : i32
    return
  }
}

</mosaic_0001>

<sc_bundles>
// kernel: kernel.3.cloned.1.call-start
scs
__scs_entry_jumppad:
0x0: {  	(pc) =	sbr.rel $0x88, $3  }
0x1: {  	(tag) =	ssettag $0x0;
	lr =	simm.s32 $0x1  }
0x2: {  	[smem:$0x3F9F] =	sst lr;
	_ =	strace $0xD0000000  }
0x3: {  	_ = 	snop  }
0x4: {  	_ = 	snop  }
0x5: {  	_ = 	snop  }
0x6: {  	_ = 	snop  }
0x7: {  	_ = 	snop  }
__scs_overlays_trampoline_lowered:
0x8: {  	[smem:$0x3FAE] =	sst s0  }
0x9: {  	[smem:$0x3FAF] =	sst s1  }
0xa: {  	[smem:$0x3FB0] =	sst s2  }
0xb: {  	[smem:$0x3FB1] =	sst s3  }
0xc: {  	[smem:$0x3FB2] =	sst s4  }
0xd: {  	[smem:$0x3FB3] =	sst s5  }
0xe: {  	[smem:$0x3FB4] =	sst s6  }
0xf: {  	[smem:$0x3FB5] =	sst s7  }
0x10: {  	[smem:$0x3FB6] =	sst s8  }
0x11: {  	[smem:$0x3FB7] =	sst s9;
	s0 =	simm.s32 @!p0 $0x0  }
0x12: {  	s1 =	sld [smem:$0x3F9D];
	s0 =	simm.s32 @p0 $0x1  }
0x13: {  	[smem:$0x3FB8] =	sst s0;
	s0 =	simm.s32 @!p1 $0x0  }
0x14: {  	s2 =	sld [smem:$0x3F9C];
	s0 =	simm.s32 @p1 $0x1  }
0x15: {  	[smem:$0x3FB9] =	sst s0;
	s0 =	simm.s32 @!p2 $0x0  }
0x16: {  	s3 =	sld [smem:$0x3FDB];
	s0 =	simm.s32 @p2 $0x1  }
0x17: {  	s4 =	simm.s32 $0x1BF5;
	[smem:$0x3FBB] =	sst s0  }
0x18: {  	s0 =	sld [smem:$0x3F9E];
	_ =	swait.ge [sflag:s4], $0x0  }
0x19: {  	s7 =	sld [smem:$0x3F9F]  }
0x1a: {  	s8 =	sadd.s32 $0xFFFFE003, lr  }
0x1b: {  	s9 =	sadd.s32 $0xFFFFFEF7, lr;
	s5 =	simm.s32 $0xFFFFFFFF;
	p2 =	slt.u32 s8, $0xFFFFF086  }
0x1c: {  	p1 =	slt.u32 s9, $0xF7A;
	s5 =	simm.s32 @!p2 $0x0  }
0x1d: {  	s5 =	simm.s32 @p1 $0x1;
	p0 =	seq.s32 s7, s2  }
0x1e: {  	s7 =	smul.u32 @!p0 $0xF7A, s2;
	p2 =	seq.s32 @!p0 s5, $0x0  }
0x1f: {  	s9 =	smul.u32 $0xF7A, s1;
	s8 =	simm.s32 @!p0 $0x1BF5;
	p2 =	por !p2, p0  }
0x20: {  	[sflag:s8] =	ssyncset.s32 @!p0 $0xFFFFF086;
	s6 =	sadd.s32 @!p0 s3, s7;
	s7 =	simm.s32 @!p0 $0x108  }
0x21: {  	s3 =	sadd.s32 s3, s9;
	s6 =	sadd.s32 @!p0 $0x88, s6;
	s7 =	simm.s32 @p2 $0x1082  }
0x22: {  	[simem:s7], [sflag:s8] =	dma.local @!p0 [hbm:s6], $0xF7A  }
0x23: {  	s9 =	sor.u32 $0xD0000000, s2;
	s6 =	simm.s32 $0x108;
	_ =	swait.ge @!p0 [sflag:s8], $0x0  }
0x24: {  	s3 =	sadd.s32 $0x88, s3;
	s6 =	simm.s32 @!p1 $0x1082;
	[sflag:s4] =	ssyncset.s32 $0xFFFFF086  }
0x25: {  	[simem:s6], [sflag:s4] =	dma.local [hbm:s3], $0xF7A  }
0x26: {  	[smem:$0x3F9F] =	sst s1;
	(tag) =	ssettag s2;
	_ =	strace s9  }
0x27: {  	s1 =	sld [smem:$0x3FAF]  }
0x28: {  	s2 =	sld [smem:$0x3FB0]  }
0x29: {  	s4 =	sld [smem:$0x3FB2]  }
0x2a: {  	p0 =	seq.s32 s5, $0x0;
	s5 =	sld [smem:$0x3FB3]  }
0x2b: {  	s6 =	sld [smem:$0x3FB4]  }
0x2c: {  	s7 =	sld [smem:$0x3FB5]  }
0x2d: {  	s3 =	simm.s32 $0x108;
	s8 =	sld [smem:$0x3FB6]  }
0x2e: {  	s3 =	simm.s32 @!p0 $0x1082;
	s9 =	sld [smem:$0x3FB7]  }
0x2f: {  	lr =	sadd.s32 s0, s3;
	s0 =	sld [smem:$0x3FAE]  }
0x30: {  	s3 =	sld [smem:$0x3FB1]  }
0x31: {  	[smem:$0x3FBA] =	sst s10  }
0x32: {  	s10 =	sld [smem:$0x3FB8];
	_ =	sdelay $0x3  }
0x33: {  	p0 =	seq.s32 s10, $0x1;
	s10 =	sld [smem:$0x3FBA];
	_ =	sdelay $0x3  }
0x34: {  	[smem:$0x3FBA] =	sst s10  }
0x35: {  	s10 =	sld [smem:$0x3FB9];
	_ =	sdelay $0x3  }
0x36: {  	p1 =	seq.s32 s10, $0x1;
	s10 =	sld [smem:$0x3FBA];
	_ =	sdelay $0x3  }
0x37: {  	[smem:$0x3FBA] =	sst s10  }
0x38: {  	s10 =	sld [smem:$0x3FBB]  }
0x39: {  	_ = 	snop;
	(pc) =	sbr.ind lr, $3  }
0x3a: {  	_ = 	snop  }
0x3b: {  	_ = 	snop  }
0x3c: {  	p2 =	seq.s32 s10, $0x1;
	s10 =	sld [smem:$0x3FBA]  }
0x3d: {  	_ =	shalt  }
0x3e: {  	_ =	shalt  }
0x3f: {  	_ =	shalt  }
0x40: {  	_ =	shalt  }
0x41: {  	_ =	shalt  }
0x42: {  	_ =	shalt  }
0x43: {  	_ =	shalt  }
0x44: {  	_ =	shalt  }
0x45: {  	_ =	shalt  }
0x46: {  	_ =	shalt  }
0x47: {  	_ =	shalt  }
0x48: {  	_ =	shalt  }
0x49: {  	_ =	shalt  }
0x4a: {  	_ =	shalt  }
0x4b: {  	_ =	shalt  }
0x4c: {  	_ =	shalt  }
0x4d: {  	_ =	shalt  }
0x4e: {  	_ =	shalt  }
0x4f: {  	_ =	shalt  }
0x50: {  	_ =	shalt  }
0x51: {  	_ =	shalt  }
0x52: {  	_ =	shalt  }
0x53: {  	_ =	shalt  }
0x54: {  	_ =	shalt  }
0x55: {  	_ =	shalt  }
0x56: {  	_ =	shalt  }
0x57: {  	_ =	shalt  }
0x58: {  	_ =	shalt  }
0x59: {  	_ =	shalt  }
0x5a: {  	_ =	shalt  }
0x5b: {  	_ =	shalt  }
0x5c: {  	_ =	shalt  }
0x5d: {  	_ =	shalt  }
0x5e: {  	_ =	shalt  }
0x5f: {  	_ =	shalt  }
0x60: {  	_ =	shalt  }
0x61: {  	_ =	shalt  }
0x62: {  	_ =	shalt  }
0x63: {  	_ =	shalt  }
0x64: {  	_ =	shalt  }
0x65: {  	_ =	shalt  }
0x66: {  	_ =	shalt  }
0x67: {  	_ =	shalt  }
0x68: {  	_ =	shalt  }
0x69: {  	_ =	shalt  }
0x6a: {  	_ =	shalt  }
0x6b: {  	_ =	shalt  }
0x6c: {  	_ =	shalt  }
0x6d: {  	_ =	shalt  }
0x6e: {  	_ =	shalt  }
0x6f: {  	_ =	shalt  }
0x70: {  	_ =	shalt  }
0x71: {  	_ =	shalt  }
0x72: {  	_ =	shalt  }
0x73: {  	_ =	shalt  }
0x74: {  	_ =	shalt  }
0x75: {  	_ =	shalt  }
0x76: {  	_ =	shalt  }
0x77: {  	_ =	shalt  }
0x78: {  	_ =	shalt  }
0x79: {  	_ =	shalt  }
0x7a: {  	_ =	shalt  }
0x7b: {  	_ =	shalt  }
0x7c: {  	_ =	shalt  }
0x7d: {  	_ =	shalt  }
0x7e: {  	_ =	shalt  }
0x7f: {  	_ =	shalt  }
0x80: {  	_ =	shalt  }
0x81: {  	_ =	shalt  }
0x82: {  	_ =	shalt  }
0x83: {  	_ =	shalt  }
0x84: {  	_ =	shalt  }
0x85: {  	_ =	shalt  }
0x86: {  	_ =	shalt  }
0x87: {  	_ =	shalt  }
.Lfunc_end0:
.L_simem_size_0:
called_computation.1_lowered:
.L_overlay_start_0:
0x88: {  	s2 =	sld [smem:$0x3FD9]  }
0x89: {  	s3 =	sld [smem:$0x3FFE];
	_ =	sdelay $0x1  }
0x8a: {  	s1 =	srdreg.scid  }
0x8b: {  	s0 =	sand.u32 $0x1, s1  }
0x8c: {  	s17 =	sshll.u32 s0, $0xA;
	s2 =	sadd.s32 s3, s2  }
0x8d: {  	s2 =	sadd.s32 s2, s17  }
0x8e: {  	[smem:$0x3FC6] =	sst s2  }
0x8f: {  	_ = 	snop  }
0x90: {  	s2 =	sld [smem:$0x3FD0];
	(tm) =	ssettm $0x1  }
0x91: {  	s18 =	sld [smem:$0x3FFB];
	_ =	sdelay $0x3  }
0x92: {  	_ =	strace s18  }
0x93: {  	s3 =	sld [smem:$0x3FFC];
	_ =	sdelay $0x3  }
0x94: {  	_ =	strace s3  }
0x95: {  	s3 =	sld [smem:$0x3FFD];
	_ =	sdelay $0x3  }
0x96: {  	_ =	strace s3  }
0x97: {  	_ =	strace $0x8FFFFFFF  }
0x98: {  	s19 =	sld [smem:$0x3FDB];
	_ =	sdelay $0x1  }
0x99: {  	s4 =	simm.s32 $_scs_section_size  }
0x9a: {  	s5 =	simm.s32 $_size__tile_overlayer_lowered;
	s6 =	simm.s32 $_tile_overlayer_lowered  }
0x9b: {  	s22 =	simm.s32 $0x1BFF;
	s21 =	sshll.u32 s6, $0x1;
	s3 =	sadd.s32 s4, s19  }
0x9c: {  	s7 =	simm.s32 $0x0;
	s20 =	sshll.u32 s5, $0x1;
	s5 =	sadd.s32 s21, s3  }
0x9d: {  	[timem:s7], [sflag:s22] =	dma.local [hbm:s5], s20  }
0x9e: {  	_ =	swait.ge [sflag:s22], s20  }
0x9f: {  	s4 =	ssub.s32 $0x0, s20;
	[sflag:s22] =	ssyncset.done $0x0  }
0xa0: {  	[sflag:s22] =	ssyncadd.s32 s4;
	_ =	sdelay $0x1  }
0xa1: {  	s23 =	simm.s32 $0x1B8B  }
0xa2: {  	_ =	swait.ge [sflag:s23], $0x1  }
0xa3: {  	[sflag:s23] =	ssyncset.done $0x0  }
0xa4: {  	s25 =	simm.s32 $0x1B8E;
	s24 =	sld [smem:$0x3FFE];
	[sflag:s23] =	ssyncadd.s32 $0xFFFFFFFF  }
0xa5: {  	s26 =	simm.s32 $execute0_lowered;
	[smem:$0x3FD2] =	sst s25  }
0xa6: {  	s5 =	sshll.u32 s26, $0x1;
	_ =	strace $0x80000049;
	[dreg:$0x1] =	wrdreg $0xFFFFFFFF  }
0xa7: {  	s28 =	simm.s32 $_size_execute0_lowered;
	s3 =	sadd.s32 s3, s5;
	[dreg:$0x0] =	wrdreg $0x0  }
0xa8: {  	s5 =	sshll.u32 s28, $0x1;
	[dreg:$0x2] =	wrdreg s3  }
0xa9: {  	[dreg:$0x3] =	wrdreg s5  }
0xaa: {  	[dreg:$0x4] =	wrdreg $0xC0  }
0xab: {  	_ =	task [dreg:s7], $0x5FFFF  }
0xac: {  	[dreg:$0x1] =	wrdreg $0xFFFFFFFF  }
0xad: {  	[dreg:$0x0] =	wrdreg $0x60  }
0xae: {  	[dreg:$0x2] =	wrdreg s2  }
0xaf: {  	[dreg:$0x3] =	wrdreg s24  }
0xb0: {  	[dreg:$0x4] =	wrdreg $0x9  }
0xb1: {  	_ =	task.clear_ibuf [dreg:s7], $0x5FFFF;
	_ =	strace $0x90000049  }
0xb2: {  	s29 =	simm.s32 $0x9;
	_ =	strace $0x8000004B  }
0xb3: {  	_ =	swait.ge [sflag:s29], $0x1  }
0xb4: {  	[sflag:s29] =	ssyncadd.s32 $0xFFFFFFFF  }
0xb5: {  	_ =	strace $0x9000004B  }
0xb6: {  	_ =	sfence  }
0xb7: {  	s30 =	sld [smem:$0x0];
	_ =	sdelay $0x2  }
0xb8: {  	s31 =	sshll.u32 s1, $0xD;
	s1 =	sshrl.u32 s1, $0x2  }
0xb9: {  	s3 =	sand.u32 $0x4000, s31;
	s1 =	sadd.s32 s1, s30  }
0xba: {  	s0 =	sor.u32 s3, s0;
	s1 =	sshll.u32 s1, $0x11  }
0xbb: {  	s0 =	sor.u32 s1, s0  }
0xbc: {  	s0 =	sadd.s32 $0x8F2B, s0  }
0xbd: {  	[sflag:s0] =	ssyncadd.remote.s32 $0x1  }
0xbe: {  	_ =	sfence.sel $0xFFFF  }
0xbf: {  	[dreg:$0x0] =	wrdreg $0xFFFFFFFF;
	(pc) =	sbr.abs _section_cstart, $3  }
0xc0: {  	[dreg:$0x1] =	wrdreg $0xFFFFFFFF  }
0xc1: {  	_ =	task.clear_ibuf [dreg:s7], $0x2FFFF;
	_ =	strace $0x9FFFFFFF  }
0xc2: {  	(tm) =	ssettm $0x7FFFFFFF  }
0xc3: {  	_ =	shalt  }
tec
execute0_lowered:
.L_overlay_start_1:
0x0: {  	(tag) =	ssettag $0x1  }
0x1: {  	s1 =	srdreg.scid;
	s2 =	rddreg [dreg:$0x0]  }
0x2: {  	s0 =	stileid.u32;
	s5 =	rddreg [dreg:$0x1];
	s3 =	simm.s32 $0x0  }
0x3: {  	s16 =	simm.s32 $0x4100;
	s4 =	sand.u32 $0x1, s1;
	s22 =	sshll.u32 s0, $0x1  }
0x4: {  	s17 =	simm.s32 $0x0;
	s1 =	rddreg [dreg:$0x2];
	s6 =	sor.u32 s4, s22  }
0x5: {  	[smem:$0x7FF] =	sst s3;
	s9 =	ssub.s32 $0x2, s4;
	s7 =	smul.u32 $0x3, s6  }
0x6: {  	s10 =	sadd.s32 $0xA00, s5;
	s6 =	smul.u32 $0x180, s6;
	s11 =	sshrl.u32 s9, $0x1  }
0x7: {  	_ =	strace $0x8000004A;
	s4 =	sadd.s32 $0x1600, s5;
	s11 =	ssub.s32 s9, s11  }
0x8: {  	s8 =	sshrl.u32 s7, $0x3;
	s6 =	sand.u32 $0x380, s6;
	s25 =	sadd.s32 $0x1, s7  }
0x9: {  	s7 =	sadd.s32 $0x2, s7;
	s11 =	smax.u32 s11, $0x1;
	s23 =	sshll.u32 s8, $0xB  }
0xa: {  	s8 =	sshll.u32 s8, $0x15;
	s26 =	sshrl.u32 s25, $0x3;
	s9 =	sshll.u32 s25, $0x7  }
0xb: {  	s13 =	sshrl.u32 s7, $0x3;
	s7 =	sshll.u32 s7, $0x7;
	s12 =	sor.u32 s6, s23  }
0xc: {  	s6 =	sor.u32 s6, s8;
	s9 =	sand.u32 $0x380, s9;
	s28 =	sshll.u32 s26, $0xB  }
0xd: {  	s14 =	sand.u32 $0x380, s7;
	s15 =	sshll.u32 s13, $0xB;
	s8 =	sshll.u32 s26, $0x15  }
0xe: {  	s31 =	sshll.u32 s13, $0x15;
	s13 =	simm.s32 $0x400;
	s24 =	sshrl.u32 s12, $0x3  }
0xf: {  	s12 =	sor.u32 s9, s28;
	s29 =	sor.u32 s14, s15;
	s8 =	sor.u32 s9, s8  }
0x10: {  	s15 =	simm.s32 $0x100;
	s12 =	sshrl.u32 s12, $0x3;
	s30 =	sshrl.u32 s29, $0x3  }
0x11: {  	s5 =	sadd.s32 s10, s24;
	s7 =	sadd.s32 s10, s12;
	s9 =	sadd.s32 s10, s30  }
0x12: {  	s10 =	sor.u32 s14, s31;
	s12 =	simm.s32 $0x80;
	s14 =	simm.s32 $0x1  }
.LBB2_1:
0x13: {  	[tilespmem:s3], [sflag:$0x1] =	stream.strided.gather [hbm4b:s5+s12], $0x100, s13, s12, $0x38;
	[tilespmem:$0x8100] =	vst v63  }
0x14: {  	_ =	swait.ge [sflag:s14], $0x100  }
0x15: {  	[sflag:s14] =	ssyncset.done $0x0  }
0x16: {  	s18 =	simm.s32 $0x0;
	[sflag:s14] =	ssyncadd.s32 $0xFFFFFF00  }
.LBB2_2:
0x17: {  	s19 =	sshll.u32 s18, $0x11  }
0x18: {  	s19 =	sadd.s32 s6, s19  }
0x19: {  	s19 =	sshrl.u32 s19, $0x3  }
0x1a: {  	s20 =	sadd.s32 s2, s19  }
0x1b: {  	[tilespmem:s15], [sflag:$0x1] =	stream.strided.gather [hbm4b:s20+s12], $0x4000, s13, s12, $0x38;
	[tilespmem:$0x8100] =	vst v63  }
0x1c: {  	_ =	swait.ge [sflag:s14], $0x4000  }
0x1d: {  	[sflag:s14] =	ssyncset.done $0x0  }
0x1e: {  	s22 =	simm.s32 $0x0;
	[sflag:s14] =	ssyncadd.s32 $0xFFFFC000  }
0x1f: {  	v0 =	vld [tilespmem:s22+$0x100];
	_ =	sdelay $0x4  }
0x20: {  	s21 =	simm.s32 $0x10;
	v0 =	vmul.f32 $5.000000000e-01, v0  }
0x21: {  	v1 =	vld [tilespmem:s21+$0x100]  }
0x22: {  	v0 =	vadd.f32 $5.000000000e-01, v0;
	_ =	sdelay $0x1  }
0x23: {  	v0 =	vmul.f32 $2.550000000e+02, v0;
	_ =	sdelay $0x1  }
0x24: {  	v1 =	vmul.f32 $5.000000000e-01, v1;
	v0 =	vadd.f32 $8.388608000e+06, v0  }
0x25: {  	s20 =	simm.s32 $0x20  }
0x26: {  	v2 =	vld [tilespmem:s20+$0x100];
	v1 =	vadd.f32 $5.000000000e-01, v1;
	v0 =	vadd.f32 $-8.388608000e+06, v0;
	_ =	sdelay $0x1  }
0x27: {  	v1 =	vmul.f32 $2.550000000e+02, v1;
	v0 =	vtrunc.f32 v0  }
0x28: {  	v0 =	vcvt.f32.s32 v0  }
0x29: {  	v1 =	vadd.f32 $8.388608000e+06, v1  }
0x2a: {  	v2 =	vmul.f32 $5.000000000e-01, v2;
	vm0 =	vgt.s32 v0, $0x0  }
0x2b: {  	s23 =	simm.s32 $0x30;
	v1 =	vadd.f32 $-8.388608000e+06, v1;
	v0 =	vnsel vm0, $0x0, v0  }
0x2c: {  	v3 =	vld [tilespmem:s23+$0x100];
	v2 =	vadd.f32 $5.000000000e-01, v2;
	v0 =	vmin.u32 v0, $0xFF  }
0x2d: {  	v1 =	vtrunc.f32 v1  }
0x2e: {  	v2 =	vmul.f32 $2.550000000e+02, v2;
	v1 =	vcvt.f32.s32 v1;
	_ =	sdelay $0x1  }
0x2f: {  	v4 =	vadd.f32 $8.388608000e+06, v2;
	vm15 =	vgt.s32 v1, $0x0  }
0x30: {  	v2 =	vmul.f32 $5.000000000e-01, v3;
	v1 =	vnsel vm15, $0x0, v1;
	v0 =	vld.idx.msk [tilespmem:v0+s3+$0x0], $0xffff  }
0x31: {  	s24 =	simm.s32 $0x40;
	s25 =	simm.s32 $0x140;
	v3 =	vadd.f32 $-8.388608000e+06, v4;
	v1 =	vmin.u32 v1, $0xFF  }
.LBB2_3:
0x32: {  	p0 =	sne.s32 s25, $0xFFC0;
	v4 =	vld [tilespmem:s24+$0x100];
	v2 =	vadd.f32 $5.000000000e-01, v2  }
0x33: {  	v3 =	vtrunc.f32 v3  }
.Ltmp0:
0x34: {  	v2 =	vmul.f32 $2.550000000e+02, v2;
	v3 =	vcvt.f32.s32 v3;
	(pc) =	sbr.rel @p0 .LBB2_3-.Ltmp0, $4  }
0x35: {  	[tilespmem:s22+$0x4100] =	vst v0;
	s22 =	smov.u32 s21;
	s21 =	smov.u32 s20;
	s20 =	smov.u32 s23  }
0x36: {  	s23 =	smov.u32 s24;
	v5 =	vadd.f32 $8.388608000e+06, v2;
	vm0 =	vgt.s32 v3, $0x0;
	v0 =	vld.idx.msk [tilespmem:v1+s3+$0x0], $0xffff  }
0x37: {  	v2 =	vmul.f32 $5.000000000e-01, v4;
	v1 =	vnsel vm0, $0x0, v3  }
0x38: {  	s24 =	sshra.s32 s25, $0x2;
	s25 =	sadd.s32 $0x40, s25;
	v3 =	vadd.f32 $-8.388608000e+06, v5;
	v1 =	vmin.u32 v1, $0xFF  }
0x39: {  	v4 =	vld [tilespmem:s24+$0x100]  }
0x3a: {  	v2 =	vadd.f32 $5.000000000e-01, v2;
	_ =	sdelay $0x1  }
0x3b: {  	v3 =	vtrunc.f32 v3;
	v2 =	vmul.f32 $2.550000000e+02, v2  }
0x3c: {  	v3 =	vcvt.f32.s32 v3  }
0x3d: {  	v2 =	vadd.f32 $8.388608000e+06, v2;
	v4 =	vmul.f32 $5.000000000e-01, v4  }
0x3e: {  	[tilespmem:s22+$0x4100] =	vst v0;
	vm0 =	vgt.s32 v3, $0x0  }
0x3f: {  	v0 =	vld.idx.msk [tilespmem:v1+s3+$0x0], $0xffff;
	v59 =	vnsel vm0, $0x0, v3;
	v2 =	vadd.f32 $-8.388608000e+06, v2;
	v60 =	vadd.f32 $5.000000000e-01, v4  }
0x40: {  	v1 =	vmin.u32 v59, $0xFF  }
0x41: {  	v2 =	vtrunc.f32 v2;
	v3 =	vmul.f32 $2.550000000e+02, v60  }
0x42: {  	v2 =	vcvt.f32.s32 v2  }
0x43: {  	v3 =	vadd.f32 $8.388608000e+06, v3  }
0x44: {  	[tilespmem:s21+$0x4100] =	vst v0;
	vm14 =	vgt.s32 v2, $0x0  }
0x45: {  	v0 =	vld.idx.msk [tilespmem:v1+s3+$0x0], $0xffff;
	v61 =	vnsel vm14, $0x0, v2;
	v62 =	vadd.f32 $-8.388608000e+06, v3  }
0x46: {  	v1 =	vmin.u32 v61, $0xFF  }
0x47: {  	v2 =	vtrunc.f32 v62  }
0x48: {  	v2 =	vcvt.f32.s32 v2;
	_ =	sdelay $0x1  }
0x49: {  	[tilespmem:s20+$0x4100] =	vst v0;
	vm15 =	vgt.s32 v2, $0x0  }
0x4a: {  	v0 =	vld.idx.msk [tilespmem:v1+s3+$0x0], $0xffff;
	v63 =	vnsel vm15, $0x0, v2  }
0x4b: {  	v1 =	vmin.u32 v63, $0xFF;
	_ =	sdelay $0x3  }
0x4c: {  	[tilespmem:s23+$0x4100] =	vst v0  }
0x4d: {  	v0 =	vld.idx.msk [tilespmem:v1+s3+$0x0], $0xffff;
	_ =	sdelay $0x2  }
0x4e: {  	s18 =	sadd.s32 $0x1, s18  }
0x4f: {  	p0 =	sne.s32 s18, $0x10  }
.Ltmp1:
0x50: {  	s19 =	sadd.s32 s4, s19;
	[tilespmem:s24+$0x4100] =	vst v0;
	(pc) =	sbr.rel @p0 .LBB2_2-.Ltmp1, $4  }
0x51: {  	[hbm4b:s19+s12] =	stream.strided.scatter [tilespmem:s16], [sflag:$0x1], $0x4000, s13, s12, $0x38;
	[tilespmem:$0x8100] =	vst v63  }
0x52: {  	_ =	swait.ge [sflag:s14], $0x4000  }
0x53: {  	[sflag:s14] =	ssyncset.done $0x0  }
0x54: {  	[sflag:s14] =	ssyncadd.s32 $0xFFFFC000  }
0x55: {  	s18 =	simm.s32 $0x0  }
0x56: {  	[tilespmem:s18], [sflag:$0x1] =	stream.strided.gather [hbm4b:s7+s12], $0x100, s13, s12, $0x38;
	[tilespmem:$0x8100] =	vst v63  }
0x57: {  	_ =	swait.ge [sflag:s14], $0x100  }
0x58: {  	[sflag:s14] =	ssyncset.done $0x0  }
0x59: {  	[sflag:s14] =	ssyncadd.s32 $0xFFFFFF00  }
.LBB2_6:
0x5a: {  	s19 =	sshll.u32 s18, $0x11  }
0x5b: {  	s19 =	sadd.s32 s8, s19  }
0x5c: {  	s19 =	sshrl.u32 s19, $0x3  }
0x5d: {  	s20 =	sadd.s32 s2, s19  }
0x5e: {  	[tilespmem:s15], [sflag:$0x1] =	stream.strided.gather [hbm4b:s20+s12], $0x4000, s13, s12, $0x38;
	[tilespmem:$0x8100] =	vst v63  }
0x5f: {  	_ =	swait.ge [sflag:s14], $0x4000  }
0x60: {  	[sflag:s14] =	ssyncset.done $0x0  }
0x61: {  	s22 =	simm.s32 $0x0;
	[sflag:s14] =	ssyncadd.s32 $0xFFFFC000  }
0x62: {  	v0 =	vld [tilespmem:s22+$0x100];
	_ =	sdelay $0x4  }
0x63: {  	s21 =	simm.s32 $0x10;
	v0 =	vmul.f32 $5.000000000e-01, v0  }
0x64: {  	v1 =	vld [tilespmem:s21+$0x100]  }
0x65: {  	v0 =	vadd.f32 $5.000000000e-01, v0;
	_ =	sdelay $0x1  }
0x66: {  	v0 =	vmul.f32 $2.550000000e+02, v0;
	_ =	sdelay $0x1  }
0x67: {  	v1 =	vmul.f32 $5.000000000e-01, v1;
	v0 =	vadd.f32 $8.388608000e+06, v0  }
0x68: {  	s20 =	simm.s32 $0x20  }
0x69: {  	v2 =	vld [tilespmem:s20+$0x100];
	v1 =	vadd.f32 $5.000000000e-01, v1;
	v0 =	vadd.f32 $-8.388608000e+06, v0;
	_ =	sdelay $0x1  }
0x6a: {  	v1 =	vmul.f32 $2.550000000e+02, v1;
	v0 =	vtrunc.f32 v0  }
0x6b: {  	v0 =	vcvt.f32.s32 v0  }
0x6c: {  	v1 =	vadd.f32 $8.388608000e+06, v1  }
0x6d: {  	v2 =	vmul.f32 $5.000000000e-01, v2;
	vm0 =	vgt.s32 v0, $0x0  }
0x6e: {  	s23 =	simm.s32 $0x30;
	v1 =	vadd.f32 $-8.388608000e+06, v1;
	v0 =	vnsel vm0, $0x0, v0  }
0x6f: {  	v3 =	vld [tilespmem:s23+$0x100];
	v2 =	vadd.f32 $5.000000000e-01, v2;
	v0 =	vmin.u32 v0, $0xFF  }
0x70: {  	v1 =	vtrunc.f32 v1  }
0x71: {  	v2 =	vmul.f32 $2.550000000e+02, v2;
	v1 =	vcvt.f32.s32 v1;
	_ =	sdelay $0x1  }
0x72: {  	v4 =	vadd.f32 $8.388608000e+06, v2;
	vm15 =	vgt.s32 v1, $0x0  }
0x73: {  	v2 =	vmul.f32 $5.000000000e-01, v3;
	v1 =	vnsel vm15, $0x0, v1;
	v0 =	vld.idx.msk [tilespmem:v0+s3+$0x0], $0xffff  }
0x74: {  	s24 =	simm.s32 $0x40;
	s25 =	simm.s32 $0x140;
	v3 =	vadd.f32 $-8.388608000e+06, v4;
	v1 =	vmin.u32 v1, $0xFF  }
.LBB2_7:
0x75: {  	p0 =	sne.s32 s25, $0xFFC0;
	v4 =	vld [tilespmem:s24+$0x100];
	v2 =	vadd.f32 $5.000000000e-01, v2  }
0x76: {  	v3 =	vtrunc.f32 v3  }
.Ltmp2:
0x77: {  	v2 =	vmul.f32 $2.550000000e+02, v2;
	v3 =	vcvt.f32.s32 v3;
	(pc) =	sbr.rel @p0 .LBB2_7-.Ltmp2, $4  }
0x78: {  	[tilespmem:s22+$0x4100] =	vst v0;
	s22 =	smov.u32 s21;
	s21 =	smov.u32 s20;
	s20 =	smov.u32 s23  }
0x79: {  	s23 =	smov.u32 s24;
	v5 =	vadd.f32 $8.388608000e+06, v2;
	vm0 =	vgt.s32 v3, $0x0;
	v0 =	vld.idx.msk [tilespmem:v1+s3+$0x0], $0xffff  }
0x7a: {  	v2 =	vmul.f32 $5.000000000e-01, v4;
	v1 =	vnsel vm0, $0x0, v3  }
0x7b: {  	s24 =	sshra.s32 s25, $0x2;
	s25 =	sadd.s32 $0x40, s25;
	v3 =	vadd.f32 $-8.388608000e+06, v5;
	v1 =	vmin.u32 v1, $0xFF  }
0x7c: {  	v4 =	vld [tilespmem:s24+$0x100]  }
0x7d: {  	v2 =	vadd.f32 $5.000000000e-01, v2;
	_ =	sdelay $0x1  }
0x7e: {  	v3 =	vtrunc.f32 v3;
	v2 =	vmul.f32 $2.550000000e+02, v2  }
0x7f: {  	v3 =	vcvt.f32.s32 v3  }
0x80: {  	v2 =	vadd.f32 $8.388608000e+06, v2;
	v4 =	vmul.f32 $5.000000000e-01, v4  }
0x81: {  	[tilespmem:s22+$0x4100] =	vst v0;
	vm0 =	vgt.s32 v3, $0x0  }
0x82: {  	v0 =	vld.idx.msk [tilespmem:v1+s3+$0x0], $0xffff;
	v59 =	vnsel vm0, $0x0, v3;
	v2 =	vadd.f32 $-8.388608000e+06, v2;
	v60 =	vadd.f32 $5.000000000e-01, v4  }
0x83: {  	v1 =	vmin.u32 v59, $0xFF  }
0x84: {  	v2 =	vtrunc.f32 v2;
	v3 =	vmul.f32 $2.550000000e+02, v60  }
0x85: {  	v2 =	vcvt.f32.s32 v2  }
0x86: {  	v3 =	vadd.f32 $8.388608000e+06, v3  }
0x87: {  	[tilespmem:s21+$0x4100] =	vst v0;
	vm14 =	vgt.s32 v2, $0x0  }
0x88: {  	v0 =	vld.idx.msk [tilespmem:v1+s3+$0x0], $0xffff;
	v61 =	vnsel vm14, $0x0, v2;
	v62 =	vadd.f32 $-8.388608000e+06, v3  }
0x89: {  	v1 =	vmin.u32 v61, $0xFF  }
0x8a: {  	v2 =	vtrunc.f32 v62  }
0x8b: {  	v2 =	vcvt.f32.s32 v2;
	_ =	sdelay $0x1  }
0x8c: {  	[tilespmem:s20+$0x4100] =	vst v0;
	vm15 =	vgt.s32 v2, $0x0  }
0x8d: {  	v0 =	vld.idx.msk [tilespmem:v1+s3+$0x0], $0xffff;
	v63 =	vnsel vm15, $0x0, v2  }
0x8e: {  	v1 =	vmin.u32 v63, $0xFF;
	_ =	sdelay $0x3  }
0x8f: {  	[tilespmem:s23+$0x4100] =	vst v0  }
0x90: {  	v0 =	vld.idx.msk [tilespmem:v1+s3+$0x0], $0xffff;
	_ =	sdelay $0x2  }
0x91: {  	s18 =	sadd.s32 $0x1, s18  }
0x92: {  	p0 =	sne.s32 s18, $0x10  }
.Ltmp3:
0x93: {  	s19 =	sadd.s32 s4, s19;
	[tilespmem:s24+$0x4100] =	vst v0;
	(pc) =	sbr.rel @p0 .LBB2_6-.Ltmp3, $4  }
0x94: {  	[hbm4b:s19+s12] =	stream.strided.scatter [tilespmem:s16], [sflag:$0x1], $0x4000, s13, s12, $0x38;
	[tilespmem:$0x8100] =	vst v63  }
0x95: {  	_ =	swait.ge [sflag:s14], $0x4000  }
0x96: {  	[sflag:s14] =	ssyncset.done $0x0  }
0x97: {  	[sflag:s14] =	ssyncadd.s32 $0xFFFFC000  }
0x98: {  	s18 =	simm.s32 $0x0  }
0x99: {  	[tilespmem:s18], [sflag:$0x1] =	stream.strided.gather [hbm4b:s9+s12], $0x100, s13, s12, $0x38;
	[tilespmem:$0x8100] =	vst v63  }
0x9a: {  	_ =	swait.ge [sflag:s14], $0x100  }
0x9b: {  	[sflag:s14] =	ssyncset.done $0x0  }
0x9c: {  	[sflag:s14] =	ssyncadd.s32 $0xFFFFFF00  }
.LBB2_10:
0x9d: {  	s19 =	sshll.u32 s18, $0x11  }
0x9e: {  	s19 =	sadd.s32 s10, s19  }
0x9f: {  	s19 =	sshrl.u32 s19, $0x3  }
0xa0: {  	s20 =	sadd.s32 s2, s19  }
0xa1: {  	[tilespmem:s15], [sflag:$0x1] =	stream.strided.gather [hbm4b:s20+s12], $0x4000, s13, s12, $0x38;
	[tilespmem:$0x8100] =	vst v63  }
0xa2: {  	_ =	swait.ge [sflag:s14], $0x4000  }
0xa3: {  	[sflag:s14] =	ssyncset.done $0x0  }
0xa4: {  	s22 =	simm.s32 $0x0;
	[sflag:s14] =	ssyncadd.s32 $0xFFFFC000  }
0xa5: {  	v0 =	vld [tilespmem:s22+$0x100];
	_ =	sdelay $0x4  }
0xa6: {  	s21 =	simm.s32 $0x10;
	v0 =	vmul.f32 $5.000000000e-01, v0  }
0xa7: {  	v1 =	vld [tilespmem:s21+$0x100]  }
0xa8: {  	v0 =	vadd.f32 $5.000000000e-01, v0;
	_ =	sdelay $0x1  }
0xa9: {  	v0 =	vmul.f32 $2.550000000e+02, v0;
	_ =	sdelay $0x1  }
0xaa: {  	v1 =	vmul.f32 $5.000000000e-01, v1;
	v0 =	vadd.f32 $8.388608000e+06, v0  }
0xab: {  	s20 =	simm.s32 $0x20  }
0xac: {  	v2 =	vld [tilespmem:s20+$0x100];
	v1 =	vadd.f32 $5.000000000e-01, v1;
	v0 =	vadd.f32 $-8.388608000e+06, v0;
	_ =	sdelay $0x1  }
0xad: {  	v1 =	vmul.f32 $2.550000000e+02, v1;
	v0 =	vtrunc.f32 v0  }
0xae: {  	v0 =	vcvt.f32.s32 v0  }
0xaf: {  	v1 =	vadd.f32 $8.388608000e+06, v1  }
0xb0: {  	v2 =	vmul.f32 $5.000000000e-01, v2;
	vm0 =	vgt.s32 v0, $0x0  }
0xb1: {  	s23 =	simm.s32 $0x30;
	v1 =	vadd.f32 $-8.388608000e+06, v1;
	v0 =	vnsel vm0, $0x0, v0  }
0xb2: {  	v3 =	vld [tilespmem:s23+$0x100];
	v2 =	vadd.f32 $5.000000000e-01, v2;
	v0 =	vmin.u32 v0, $0xFF  }
0xb3: {  	v1 =	vtrunc.f32 v1  }
0xb4: {  	v2 =	vmul.f32 $2.550000000e+02, v2;
	v1 =	vcvt.f32.s32 v1;
	_ =	sdelay $0x1  }
0xb5: {  	v4 =	vadd.f32 $8.388608000e+06, v2;
	vm15 =	vgt.s32 v1, $0x0  }
0xb6: {  	v2 =	vmul.f32 $5.000000000e-01, v3;
	v1 =	vnsel vm15, $0x0, v1;
	v0 =	vld.idx.msk [tilespmem:v0+s3+$0x0], $0xffff  }
0xb7: {  	s24 =	simm.s32 $0x40;
	s25 =	simm.s32 $0x140;
	v3 =	vadd.f32 $-8.388608000e+06, v4;
	v1 =	vmin.u32 v1, $0xFF  }
.LBB2_11:
0xb8: {  	p0 =	sne.s32 s25, $0xFFC0;
	v4 =	vld [tilespmem:s24+$0x100];
	v2 =	vadd.f32 $5.000000000e-01, v2  }
0xb9: {  	v3 =	vtrunc.f32 v3  }
.Ltmp4:
0xba: {  	v2 =	vmul.f32 $2.550000000e+02, v2;
	v3 =	vcvt.f32.s32 v3;
	(pc) =	sbr.rel @p0 .LBB2_11-.Ltmp4, $4  }
0xbb: {  	[tilespmem:s22+$0x4100] =	vst v0;
	s22 =	smov.u32 s21;
	s21 =	smov.u32 s20;
	s20 =	smov.u32 s23  }
0xbc: {  	s23 =	smov.u32 s24;
	v5 =	vadd.f32 $8.388608000e+06, v2;
	vm0 =	vgt.s32 v3, $0x0;
	v0 =	vld.idx.msk [tilespmem:v1+s3+$0x0], $0xffff  }
0xbd: {  	v2 =	vmul.f32 $5.000000000e-01, v4;
	v1 =	vnsel vm0, $0x0, v3  }
0xbe: {  	s24 =	sshra.s32 s25, $0x2;
	s25 =	sadd.s32 $0x40, s25;
	v3 =	vadd.f32 $-8.388608000e+06, v5;
	v1 =	vmin.u32 v1, $0xFF  }
0xbf: {  	v4 =	vld [tilespmem:s24+$0x100]  }
0xc0: {  	v2 =	vadd.f32 $5.000000000e-01, v2;
	_ =	sdelay $0x1  }
0xc1: {  	v3 =	vtrunc.f32 v3;
	v2 =	vmul.f32 $2.550000000e+02, v2  }
0xc2: {  	v3 =	vcvt.f32.s32 v3  }
0xc3: {  	v2 =	vadd.f32 $8.388608000e+06, v2;
	v4 =	vmul.f32 $5.000000000e-01, v4  }
0xc4: {  	[tilespmem:s22+$0x4100] =	vst v0;
	vm0 =	vgt.s32 v3, $0x0  }
0xc5: {  	v0 =	vld.idx.msk [tilespmem:v1+s3+$0x0], $0xffff;
	v59 =	vnsel vm0, $0x0, v3;
	v2 =	vadd.f32 $-8.388608000e+06, v2;
	v60 =	vadd.f32 $5.000000000e-01, v4  }
0xc6: {  	v1 =	vmin.u32 v59, $0xFF  }
0xc7: {  	v2 =	vtrunc.f32 v2;
	v3 =	vmul.f32 $2.550000000e+02, v60  }
0xc8: {  	v2 =	vcvt.f32.s32 v2  }
0xc9: {  	v3 =	vadd.f32 $8.388608000e+06, v3  }
0xca: {  	[tilespmem:s21+$0x4100] =	vst v0;
	vm14 =	vgt.s32 v2, $0x0  }
0xcb: {  	v0 =	vld.idx.msk [tilespmem:v1+s3+$0x0], $0xffff;
	v61 =	vnsel vm14, $0x0, v2;
	v62 =	vadd.f32 $-8.388608000e+06, v3  }
0xcc: {  	v1 =	vmin.u32 v61, $0xFF  }
0xcd: {  	v2 =	vtrunc.f32 v62  }
0xce: {  	v2 =	vcvt.f32.s32 v2;
	_ =	sdelay $0x1  }
0xcf: {  	[tilespmem:s20+$0x4100] =	vst v0;
	vm15 =	vgt.s32 v2, $0x0  }
0xd0: {  	v0 =	vld.idx.msk [tilespmem:v1+s3+$0x0], $0xffff;
	v63 =	vnsel vm15, $0x0, v2  }
0xd1: {  	v1 =	vmin.u32 v63, $0xFF;
	_ =	sdelay $0x3  }
0xd2: {  	[tilespmem:s23+$0x4100] =	vst v0  }
0xd3: {  	v0 =	vld.idx.msk [tilespmem:v1+s3+$0x0], $0xffff;
	_ =	sdelay $0x2  }
0xd4: {  	s18 =	sadd.s32 $0x1, s18  }
0xd5: {  	p0 =	sne.s32 s18, $0x10  }
.Ltmp5:
0xd6: {  	s19 =	sadd.s32 s4, s19;
	[tilespmem:s24+$0x4100] =	vst v0;
	(pc) =	sbr.rel @p0 .LBB2_10-.Ltmp5, $4  }
0xd7: {  	[hbm4b:s19+s12] =	stream.strided.scatter [tilespmem:s16], [sflag:$0x1], $0x4000, s13, s12, $0x38;
	[tilespmem:$0x8100] =	vst v63  }
0xd8: {  	_ =	swait.ge [sflag:s14], $0x4000  }
0xd9: {  	[sflag:s14] =	ssyncset.done $0x0  }
0xda: {  	[sflag:s14] =	ssyncadd.s32 $0xFFFFC000  }
0xdb: {  	s17 =	sadd.s32 $0x1, s17  }
0xdc: {  	p0 =	sne.s32 s17, s11  }
.Ltmp6:
0xdd: {  	_ = 	snop;
	(pc) =	sbr.rel @p0 .LBB2_1-.Ltmp6, $1  }
0xde: {  	_ =	sdelay $0x3  }
0xdf: {  	_ =	sfence.sel $0x180000  }
0xe0: {  	[bflag:$0x0] =	sbarrier.arrive $0xFFFF  }
0xe1: {  	p0 =	sne.s32 s0, $0x0;
	_ =	strace $0x9000004A  }
0xe2: {  	s0 =	sadd.s32 @!p0 $0x100000, s1;
	[bflag:$0x2] =	sbarrier.arrive $0xFFFF  }
0xe3: {  	[sflag:s0] =	ssyncadd.tile.s32 @!p0 $0x1;
	_ =	shalt  }
.Lfunc_end2:
_tile_overlayer_lowered:
.L_overlay_start_2:
0xe4: {  	(tag) =	ssettag $0x2  }
0xe5: {  	s0 =	rddreg [dreg:$0x0];
	s2 =	stileid.u32  }
0xe6: {  	s1 =	rddreg [dreg:$0x1];
	p0 =	sne.s32 s2, $0x0  }
0xe7: {  	s3 =	rddreg [dreg:$0x2];
	[bflag:$0x3] =	sbarrier.arrive $0xFFFF;
	s2 =	simm.s32 @!p0 $0x1C01  }
0xe8: {  	[timem:s3], [sflag:s2] =	dma.local @!p0 [hbm:s0], s1  }
0xe9: {  	s0 =	simm.s32 @!p0 $0x1  }
0xea: {  	_ =	swait.ge @!p0 [sflag:s0], s1  }
0xeb: {  	s1 =	ssub.s32 @!p0 $0x0, s1;
	[sflag:s0] =	ssyncset.done @!p0 $0x0  }
0xec: {  	[sflag:s0] =	ssyncadd.s32 @!p0 s1  }
0xed: {  	[bflag:$0x3] =	sbarrier.arrive $0xFFFF  }
0xee: {  	_ =	shalt  }

// kernel: sparse-core-data-format-call.cloned.1.call-start
scs
called_computation_lowered:
.L_overlay_start_0:
0x0: {  	s2 =	sld [smem:$0x3FD9]  }
0x1: {  	s3 =	sld [smem:$0x3FFE];
	_ =	sdelay $0x1  }
0x2: {  	s1 =	srdreg.scid  }
0x3: {  	s0 =	sand.u32 $0x1, s1  }
0x4: {  	s19 =	sshll.u32 s0, $0xA;
	s2 =	sadd.s32 s3, s2  }
0x5: {  	s2 =	sadd.s32 s2, s19  }
0x6: {  	[smem:$0x3FC6] =	sst s2  }
0x7: {  	_ = 	snop  }
0x8: {  	s2 =	sld [smem:$0x3FC9]  }
0x9: {  	s20 =	sld [smem:$0x3FD0];
	(tm) =	ssettm $0x1  }
0xa: {  	s4 =	sld [smem:$0x3FFB];
	_ =	sdelay $0x3  }
0xb: {  	_ =	strace s4  }
0xc: {  	s4 =	sld [smem:$0x3FFC];
	_ =	sdelay $0x3  }
0xd: {  	_ =	strace s4  }
0xe: {  	s4 =	sld [smem:$0x3FFD];
	_ =	sdelay $0x3  }
0xf: {  	_ =	strace s4  }
0x10: {  	_ =	strace $0x8FFFFFFF  }
0x11: {  	s21 =	sld [smem:$0x3FDB];
	_ =	sdelay $0x1  }
0x12: {  	s5 =	simm.s32 $_scs_section_size  }
0x13: {  	s6 =	simm.s32 $_size__tile_overlayer_lowered;
	s7 =	simm.s32 $_tile_overlayer_lowered  }
0x14: {  	s24 =	simm.s32 $0x1BFF;
	s23 =	sshll.u32 s7, $0x1;
	s4 =	sadd.s32 s5, s21  }
0x15: {  	s8 =	simm.s32 $0x0;
	s22 =	sshll.u32 s6, $0x1;
	s6 =	sadd.s32 s23, s4  }
0x16: {  	[timem:s8], [sflag:s24] =	dma.local [hbm:s6], s22  }
0x17: {  	_ =	swait.ge [sflag:s24], s22  }
0x18: {  	s5 =	ssub.s32 $0x0, s22;
	[sflag:s24] =	ssyncset.done $0x0  }
0x19: {  	[sflag:s24] =	ssyncadd.s32 s5;
	_ =	sdelay $0x1  }
0x1a: {  	s25 =	simm.s32 $0x1B8B  }
0x1b: {  	_ =	swait.ge [sflag:s25], $0x1  }
0x1c: {  	[sflag:s25] =	ssyncset.done $0x0  }
0x1d: {  	s26 =	simm.s32 $0x1B8E;
	[sflag:s25] =	ssyncadd.s32 $0xFFFFFFFF  }
0x1e: {  	s27 =	simm.s32 $execute0_lowered;
	[smem:$0x3FD2] =	sst s26  }
0x1f: {  	s5 =	sshll.u32 s27, $0x1;
	_ =	strace $0x80000046;
	[dreg:$0x1] =	wrdreg $0xFFFFFFFF  }
0x20: {  	s28 =	simm.s32 $_size_execute0_lowered;
	s4 =	sadd.s32 s4, s5;
	[dreg:$0x0] =	wrdreg $0x0  }
0x21: {  	s5 =	sshll.u32 s28, $0x1;
	[dreg:$0x2] =	wrdreg s4  }
0x22: {  	[dreg:$0x3] =	wrdreg s5  }
0x23: {  	[dreg:$0x4] =	wrdreg $0xC0  }
0x24: {  	_ =	task [dreg:s8], $0x5FFFF  }
0x25: {  	[dreg:$0x1] =	wrdreg $0xFFFFFFFF  }
0x26: {  	[dreg:$0x0] =	wrdreg $0x60  }
0x27: {  	[dreg:$0x2] =	wrdreg s2  }
0x28: {  	[dreg:$0x3] =	wrdreg s20  }
0x29: {  	[dreg:$0x4] =	wrdreg $0x9  }
0x2a: {  	_ =	task.clear_ibuf [dreg:s8], $0x5FFFF;
	_ =	strace $0x90000046  }
0x2b: {  	s29 =	simm.s32 $0x9;
	_ =	strace $0x80000048  }
0x2c: {  	_ =	swait.ge [sflag:s29], $0x1  }
0x2d: {  	[sflag:s29] =	ssyncadd.s32 $0xFFFFFFFF  }
0x2e: {  	_ =	strace $0x90000048  }
0x2f: {  	_ =	sfence  }
0x30: {  	s30 =	sld [smem:$0x0];
	_ =	sdelay $0x2  }
0x31: {  	s31 =	sshll.u32 s1, $0xD;
	s1 =	sshrl.u32 s1, $0x2  }
0x32: {  	s3 =	sand.u32 $0x4000, s31;
	s1 =	sadd.s32 s1, s30  }
0x33: {  	s0 =	sor.u32 s3, s0;
	s1 =	sshll.u32 s1, $0x11  }
0x34: {  	s0 =	sor.u32 s1, s0  }
0x35: {  	s0 =	sadd.s32 $0x8F2B, s0  }
0x36: {  	[sflag:s0] =	ssyncadd.remote.s32 $0x1  }
0x37: {  	_ =	sfence.sel $0xFFFF  }
0x38: {  	[dreg:$0x0] =	wrdreg $0xFFFFFFFF;
	(pc) =	sbr.abs _section_cstart, $3  }
0x39: {  	[dreg:$0x1] =	wrdreg $0xFFFFFFFF  }
0x3a: {  	_ =	task.clear_ibuf [dreg:s8], $0x2FFFF;
	_ =	strace $0x9FFFFFFF  }
0x3b: {  	(tm) =	ssettm $0x7FFFFFFF  }
tec
execute0_lowered:
.L_overlay_start_1:
0x0: {  	(tag) =	ssettag $0x1  }
0x1: {  	s0 =	stileid.u32  }
0x2: {  	s1 =	srdreg.scid;
	s3 =	rddreg [dreg:$0x0]  }
0x3: {  	s5 =	simm.s32 $0x1;
	s2 =	sshll.u32 s0, $0x4;
	s1 =	sshll.u32 s1, $0x8  }
0x4: {  	s8 =	simm.s32 $0x2;
	s16 =	simm.s32 $0x0;
	s1 =	sor.u32 s2, s1  }
0x5: {  	s9 =	simm.s32 $0x1000;
	s10 =	simm.s32 $0x0;
	s2 =	sand.u32 $0x180, s1  }
0x6: {  	s17 =	simm.s32 $0x0;
	s19 =	simm.s32 $0x0;
	s1 =	ssub.s32 $0x200, s2  }
0x7: {  	s18 =	simm.s32 $0x0;
	s11 =	simm.s32 $0x0;
	s4 =	sand.u32 $0x180, s1  }
0x8: {  	s14 =	simm.s32 $0x0;
	s6 =	sshrl.u32 s1, $0x9;
	p0 =	sne.s32 s4, $0x0  }
.Ltmp0:
0x9: {  	s1 =	rddreg [dreg:$0x2];
	s5 =	simm.s32 @!p0 $0x0;
	(pc) =	sbr.rel .LBB1_1-.Ltmp0, $4  }
0xa: {  	s7 =	sand.u32 $0x7, s0;
	s4 =	rddreg [dreg:$0x1];
	s6 =	sadd.s32 s5, s6  }
0xb: {  	_ =	strace $0x80000047;
	s5 =	simm.s32 $0x1;
	s6 =	smul.u32 $0x30, s6  }
0xc: {  	s15 =	simm.s32 $0x0;
	s13 =	smov.u32 s7;
	[sflag:s5] =	ssyncpa.u1 $0x0  }
0xd: {  	s12 =	smov.u32 s2;
	[sflag:s8] =	ssyncpa.u1 $0x0;
	s8 =	sor.u32 $0x1, s6  }
.LBB1_4:
0xe: {  	_ =	sdelay $0x3  }
0xf: {  	[tilespmem:v0+s22+$0xFFFFFFA0 ss:$0x1] =	vst.idx.msk $0xffff, v6  }
0x10: {  	v56 =	vld.idx.msk [tilespmem:v1+s21+$0x30 ss:$0x1], $0xffff;
	[tilespmem:v0+s22+$0xFFFFFFB0 ss:$0x1] =	vst.idx.msk $0xffff, v4  }
0x11: {  	v57 =	vld.idx.msk [tilespmem:v1+s21+$0xFFFFFFC0 ss:$0x1], $0xffff;
	[tilespmem:v0+s22+$0xFFFFFFC0 ss:$0x1] =	vst.idx.msk $0xffff, v2  }
0x12: {  	v58 =	vld.idx.msk [tilespmem:v1+s21+$0xFFFFFFD0 ss:$0x1], $0xffff;
	[tilespmem:v0+s22+$0xFFFFFFD0 ss:$0x1] =	vst.idx.msk $0xffff, v3  }
0x13: {  	v59 =	vld.idx.msk [tilespmem:v1+s21+$0xFFFFFFE0 ss:$0x1], $0xffff;
	[tilespmem:v0+s22+$0xFFFFFFE0 ss:$0x1] =	vst.idx.msk $0xffff, v5  }
0x14: {  	v60 =	vld.idx.msk [tilespmem:v1+s21+$0xFFFFFFF0 ss:$0x1], $0xffff;
	[tilespmem:v0+s22+$0xFFFFFFF0 ss:$0x1] =	vst.idx.msk $0xffff, v7  }
0x15: {  	v61 =	vld.idx.msk [tilespmem:v1+s21+$0x0 ss:$0x1], $0xffff;
	[tilespmem:v0+s21+$0x0 ss:$0x1] =	vst.idx.msk $0xffff, v56  }
0x16: {  	v62 =	vld.idx.msk [tilespmem:v1+s21+$0x10 ss:$0x1], $0xffff;
	[tilespmem:v0+s21+$0xFFFFFF90 ss:$0x1] =	vst.idx.msk $0xffff, v57  }
0x17: {  	s19 =	sshll.u32 s19, $0x7;
	v63 =	vld.idx.msk [tilespmem:v1+s21+$0x20 ss:$0x1], $0xffff;
	s29 =	sand.u32 $0x78, s16;
	[tilespmem:v0+s21+$0xFFFFFFA0 ss:$0x1] =	vst.idx.msk $0xffff, v58  }
0x18: {  	s30 =	sshll.u32 s16, $0x3;
	s18 =	sshll.u32 s18, $0x12;
	s19 =	sand.u32 $0x380, s19;
	[tilespmem:v0+s21+$0xFFFFFFB0 ss:$0x1] =	vst.idx.msk $0xffff, v59  }
0x19: {  	s17 =	sshll.u32 s17, $0x9;
	s22 =	sand.u32 $0xC00, s30;
	s19 =	sor.u32 s29, s19;
	[tilespmem:v0+s21+$0xFFFFFFC0 ss:$0x1] =	vst.idx.msk $0xffff, v60  }
0x1a: {  	s31 =	sand.u32 $0x7, s16;
	s18 =	sadd.s32 s4, s18;
	s19 =	sor.u32 s22, s19;
	[tilespmem:v0+s21+$0xFFFFFFD0 ss:$0x1] =	vst.idx.msk $0xffff, v61  }
0x1b: {  	s16 =	sshll.u32 s31, $0x12;
	s17 =	sadd.s32 s17, s18;
	s19 =	sshrl.u32 s19, $0x3;
	[tilespmem:v0+s21+$0xFFFFFFE0 ss:$0x1] =	vst.idx.msk $0xffff, v62  }
0x1c: {  	s16 =	sor.u32 $0x80, s16;
	[tilespmem:v0+s21+$0xFFFFFFF0 ss:$0x1] =	vst.idx.msk $0xffff, v63;
	s17 =	sadd.s32 s19, s17  }
0x1d: {  	[hbm4b:s17+s16] =	stream.strided.scatter [tilespmem:s20], [sflag:$0x2], $0x4000, s9, s16, $0x38;
	[tilespmem:$0x10000] =	vst v63  }
.LBB1_5:
0x1e: {  	s20 =	sadd.s32 $0x80, s11  }
0x1f: {  	s16 =	sadd.s32 $0x200, s12;
	s21 =	smov.u32 s12;
	p1 =	sgt.s32 s20, $0x1FF  }
0x20: {  	s21 =	smov.u32 @p1 s16  }
0x21: {  	s22 =	smov.u32 s13;
	s16 =	sadd.s32 $0x8, s13;
	p2 =	sgt.s32 s21, $0x1FF  }
0x22: {  	s22 =	smov.u32 @p2 s16  }
0x23: {  	s16 =	simm.s32 $0x1;
	p3 =	sgt.s32 s22, $0x7  }
0x24: {  	s16 =	simm.s32 @!p3 $0x0  }
0x25: {  	p0 =	slt.u32 s15, $0x2;
	s24 =	sadd.s32 s16, s14  }
0x26: {  	s17 =	smov.u32 s12;
	s20 =	simm.s32 @p1 $0x0;
	p1 =	sgt.s32 s24, $0xB  }
0x27: {  	s23 =	simm.s32 @!p0 $0x2;
	s24 =	simm.s32 @p1 $0x0;
	p1 =	sne.s32 s15, s8  }
.Ltmp1:
0x28: {  	s19 =	smov.u32 s13;
	_ =	swait.ge @!p0 [sflag:s23], $0x4000;
	(pc) =	sbr.rel @!p1 .LBB1_6-.Ltmp1, $4  }
0x29: {  	s18 =	smov.u32 s14;
	[sflag:s23] =	ssyncset.done @!p0 $0x0;
	s21 =	smov.u32 @p2 s2  }
0x2a: {  	s10 =	sadd.s32 $0x4000, s10;
	[sflag:s23] =	ssyncadd.s32 @!p0 $0xFFFFC000;
	s12 =	smov.u32 s21  }
0x2b: {  	s22 =	smov.u32 @p3 s7;
	s16 =	smov.u32 s11;
	s11 =	smov.u32 s20  }
0x2c: {  	s13 =	smov.u32 s22;
	s15 =	sadd.s32 $0x1, s15;
	s14 =	smov.u32 s24  }
.LBB1_1:
0x2d: {  	p0 =	sge.u32 s15, s6;
	s31 =	sadd.s32 $0xFFFFFFFF, s15  }
0x2e: {  	s20 =	sxor.u32 @!p0 $0xFFFFFFFF, s15;
	s21 =	sand.u32 @!p0 $0x78, s11;
	s22 =	sshll.u32 @!p0 s12, $0x9  }
0x2f: {  	s23 =	sshll.u32 @!p0 s11, $0x3;
	s24 =	sshll.u32 @!p0 s12, $0x7;
	s20 =	sshll.u32 @!p0 s20, $0xE  }
0x30: {  	s22 =	sand.u32 @!p0 $0x3F000, s22;
	s23 =	sand.u32 @!p0 $0x3FC00, s23;
	s20 =	sand.u32 @!p0 $0x4000, s20  }
0x31: {  	s22 =	sadd.s32 @!p0 s22, s23;
	s23 =	sand.u32 @!p0 $0x200, s24;
	s24 =	sand.u32 @!p0 $0x180, s24  }
0x32: {  	s22 =	sor.u32 @!p0 s23, s22;
	s21 =	sor.u32 @!p0 s21, s24;
	s23 =	sshll.u32 @!p0 s14, $0x12  }
0x33: {  	s24 =	sshll.u32 @!p0 s13, $0xF;
	s22 =	sshrl.u32 @!p0 s22, $0x3;
	s23 =	sadd.s32 @!p0 s3, s23  }
0x34: {  	s21 =	sshrl.u32 @!p0 s21, $0x3;
	s23 =	sadd.s32 @!p0 s24, s23;
	s24 =	sand.u32 @!p0 $0x7, s11  }
0x35: {  	s22 =	sand.u32 @!p0 $0x7FC0, s22;
	s21 =	sadd.s32 @!p0 s21, s23;
	s23 =	sshll.u32 @!p0 s24, $0x12  }
0x36: {  	s21 =	sadd.s32 @!p0 s22, s21;
	s22 =	sor.u32 @!p0 $0x400, s23;
	s23 =	simm.s32 @!p0 $0x1000  }
0x37: {  	[tilespmem:s20], [sflag:$0x1] =	stream.strided.gather @!p0 [hbm4b:s21+s22], $0x4000, s23, s22, $0x38;
	[tilespmem:$0x10000] =	vst v63  }
0x38: {  	p0 =	sge.u32 s31, s6  }
.Ltmp2:
0x39: {  	_ = 	snop;
	(pc) =	sbr.rel @p0 .LBB1_5-.Ltmp2, $1  }
0x3a: {  	_ =	sdelay $0x3  }
0x3b: {  	s20 =	sand.u32 $0x4000, s10  }
0x3c: {  	s21 =	sor.u32 $0x40, s20  }
0x3d: {  	v1 =	vmov s21;
	_ =	sdelay $0x1  }
0x3e: {  	_ =	swait.ge [sflag:s5], $0x4000  }
0x3f: {  	[sflag:s5] =	ssyncset.done $0x0  }
0x40: {  	s22 =	simm.s32 $0x0;
	[sflag:s5] =	ssyncadd.s32 $0xFFFFC000  }
0x41: {  	s20 =	sor.u32 $0x8070, s20;
	v7 =	vld.idx.msk [tilespmem:v1+s22+$0x30 ss:$0x1], $0xffff  }
0x42: {  	v0 =	vmov s20;
	v8 =	vld.idx.msk [tilespmem:v1+s22+$0xFFFFFFC0 ss:$0x1], $0xffff  }
0x43: {  	v6 =	vld.idx.msk [tilespmem:v1+s22+$0xFFFFFFD0 ss:$0x1], $0xffff  }
0x44: {  	v4 =	vld.idx.msk [tilespmem:v1+s22+$0xFFFFFFE0 ss:$0x1], $0xffff  }
0x45: {  	v2 =	vld.idx.msk [tilespmem:v1+s22+$0xFFFFFFF0 ss:$0x1], $0xffff  }
0x46: {  	s31 =	sshll.u32 s15, $0xE;
	v3 =	vld.idx.msk [tilespmem:v1+s22+$0x0 ss:$0x1], $0xffff  }
0x47: {  	s20 =	sand.u32 $0x4000, s31;
	v5 =	vld.idx.msk [tilespmem:v1+s22+$0x10 ss:$0x1], $0xffff;
	[tilespmem:v0+s22+$0x0 ss:$0x1] =	vst.idx.msk $0xffff, v7  }
0x48: {  	s23 =	simm.s32 $0x400;
	s21 =	simm.s32 $0x80;
	s20 =	sor.u32 $0x8000, s20;
	[tilespmem:v0+s22+$0xFFFFFF90 ss:$0x1] =	vst.idx.msk $0xffff, v8;
	v7 =	vld.idx.msk [tilespmem:v1+s22+$0x20 ss:$0x1], $0xffff  }
.LBB1_3:
0x49: {  	p0 =	sne.s32 s23, $0xFE00;
	v8 =	vld.idx.msk [tilespmem:v1+s21+$0x30 ss:$0x1], $0xffff;
	[tilespmem:v0+s22+$0xFFFFFFA0 ss:$0x1] =	vst.idx.msk $0xffff, v6  }
0x4a: {  	v9 =	vld.idx.msk [tilespmem:v1+s21+$0xFFFFFFC0 ss:$0x1], $0xffff;
	[tilespmem:v0+s22+$0xFFFFFFB0 ss:$0x1] =	vst.idx.msk $0xffff, v4  }
0x4b: {  	v6 =	vld.idx.msk [tilespmem:v1+s21+$0xFFFFFFD0 ss:$0x1], $0xffff;
	[tilespmem:v0+s22+$0xFFFFFFC0 ss:$0x1] =	vst.idx.msk $0xffff, v2  }
.Ltmp3:
0x4c: {  	v4 =	vld.idx.msk [tilespmem:v1+s21+$0xFFFFFFE0 ss:$0x1], $0xffff;
	[tilespmem:v0+s22+$0xFFFFFFD0 ss:$0x1] =	vst.idx.msk $0xffff, v3;
	(pc) =	sbr.rel @p0 .LBB1_3-.Ltmp3, $4  }
0x4d: {  	v2 =	vld.idx.msk [tilespmem:v1+s21+$0xFFFFFFF0 ss:$0x1], $0xffff;
	[tilespmem:v0+s22+$0xFFFFFFE0 ss:$0x1] =	vst.idx.msk $0xffff, v5  }
0x4e: {  	v3 =	vld.idx.msk [tilespmem:v1+s21+$0x0 ss:$0x1], $0xffff;
	[tilespmem:v0+s22+$0xFFFFFFF0 ss:$0x1] =	vst.idx.msk $0xffff, v7;
	s22 =	smov.u32 s21  }
0x4f: {  	v5 =	vld.idx.msk [tilespmem:v1+s22+$0x10 ss:$0x1], $0xffff;
	[tilespmem:v0+s22+$0x0 ss:$0x1] =	vst.idx.msk $0xffff, v8  }
0x50: {  	s21 =	sshra.s32 s23, $0x2;
	s23 =	sadd.s32 $0x200, s23;
	[tilespmem:v0+s22+$0xFFFFFF90 ss:$0x1] =	vst.idx.msk $0xffff, v9;
	v7 =	vld.idx.msk [tilespmem:v1+s22+$0x20 ss:$0x1], $0xffff  }
.Ltmp4:
0x51: {  	_ = 	snop;
	(pc) =	sbr.rel .LBB1_4-.Ltmp4, $1  }
0x52: {  	_ =	sdelay $0x3  }
.LBB1_6:
0x53: {  	_ =	sfence.sel $0x180000  }
0x54: {  	s2 =	simm.s32 $0x1;
	[bflag:$0x0] =	sbarrier.arrive $0xFFFF  }
0x55: {  	s31 =	simm.s32 $0x2;
	[sflag:s2] =	ssyncpa.u1 $0x1  }
0x56: {  	[sflag:s31] =	ssyncpa.u1 $0x1  }
0x57: {  	p0 =	sne.s32 s0, $0x0;
	_ =	strace $0x90000047  }
0x58: {  	s0 =	sadd.s32 @!p0 $0x100000, s1;
	[bflag:$0x2] =	sbarrier.arrive $0xFFFF  }
0x59: {  	[sflag:s0] =	ssyncadd.tile.s32 @!p0 $0x1;
	_ =	shalt  }
.Lfunc_end1:
_tile_overlayer_lowered:
.L_overlay_start_2:
0x5a: {  	(tag) =	ssettag $0x2  }
0x5b: {  	s0 =	rddreg [dreg:$0x0];
	s2 =	stileid.u32  }
0x5c: {  	s1 =	rddreg [dreg:$0x1];
	p0 =	sne.s32 s2, $0x0  }
0x5d: {  	s3 =	rddreg [dreg:$0x2];
	[bflag:$0x3] =	sbarrier.arrive $0xFFFF;
	s2 =	simm.s32 @!p0 $0x1C01  }
0x5e: {  	[timem:s3], [sflag:s2] =	dma.local @!p0 [hbm:s0], s1  }
0x5f: {  	s0 =	simm.s32 @!p0 $0x1  }
0x60: {  	_ =	swait.ge @!p0 [sflag:s0], s1  }
0x61: {  	s1 =	ssub.s32 @!p0 $0x0, s1;
	[sflag:s0] =	ssyncset.done @!p0 $0x0  }
0x62: {  	[sflag:s0] =	ssyncadd.s32 @!p0 s1  }
0x63: {  	[bflag:$0x3] =	sbarrier.arrive $0xFFFF  }
0x64: {  	_ =	shalt  }

</sc_bundles>
